<compile_context>
chip_gen: v7x
topology: tpu7x:2x2x1
jax: 0.10.2.dev20260603
libtpu: 0.0.44.dev20260713+nightly
codegen_flags: <defaults>
</compile_context>

<pallas_src>
import functools

import jax
import jax.numpy as jnp
from jax import lax
from jax.experimental import pallas as pl
from jax.experimental.pallas import tpu as pltpu
from jax.experimental.pallas import tpu_sc as plsc

_EMBED = 64
_DM = 128
_HID = 256
_STEPS = 4
_NW = 32
_CHUNK = 100
_NSLOT = 6


def _sc_segment_sum(emb, idx, rows_per_w, n_chunks):
  mesh = plsc.VectorSubcoreMesh(core_axis_name="c", subcore_axis_name="s")
  chunks_per_w = rows_per_w * n_chunks

  @functools.partial(
      pl.kernel,
      out_type=jax.ShapeDtypeStruct((_NW, rows_per_w, _DM), jnp.float32),
      mesh=mesh,
      scratch_types=[
          pltpu.VMEM((rows_per_w * n_chunks, _CHUNK), jnp.int32),
          pltpu.VMEM((_NSLOT, _CHUNK, _DM), jnp.float32),
          pltpu.VMEM((rows_per_w, _DM), jnp.float32),
          pltpu.SemaphoreType.DMA((_NSLOT,)),
      ],
      compiler_params=pltpu.CompilerParams(use_tc_tiling_on_sc=True),
  )
  def seg_sum(emb_hbm, idx_hbm, out_hbm, idx_v, ring_v, out_v, sem):
    wid = lax.axis_index("s") * 2 + lax.axis_index("c")
    pltpu.sync_copy(idx_hbm.at[wid], idx_v)

    def desc(c, p):
      return pltpu.make_async_copy(
          emb_hbm.at[idx_v.at[c]], ring_v.at[p], sem.at[p])

    for c0 in range(_NSLOT):
      desc(c0, c0).start()

    def chunk_body(c, acc):
      p = lax.rem(c, _NSLOT)
      desc(c, p).wait()

      def acc_body(j, a):
        a = list(a)
        row = 2 * j
        for v in range(4):
          a[v] = a[v] + ring_v[p, row, pl.ds(v * 16, 16)]
        for v in range(4):
          a[4 + v] = a[4 + v] + ring_v[p, row + 1, pl.ds(v * 16, 16)]
        return tuple(a)

      acc = lax.fori_loop(0, _CHUNK // 2, acc_body, acc)

      k = lax.rem(c, n_chunks)
      last = k == n_chunks - 1

      @pl.when(last)
      def _():
        r = lax.div(c, n_chunks)
        for v in range(8):
          out_v[r, pl.ds(v * 16, 16)] = acc[v]

      @pl.when(c + _NSLOT < chunks_per_w)
      def _():
        desc(c + _NSLOT, p).start()

      zero = jnp.zeros((16,), jnp.float32)
      return tuple(jnp.where(last, zero, a) for a in acc)

    zero = jnp.zeros((16,), jnp.float32)
    lax.fori_loop(0, chunks_per_w, chunk_body, (zero,) * 8)
    pltpu.sync_copy(out_v, out_hbm.at[wid])

  return seg_sum(emb, idx)


def _dense_body(qls, qrs, sls, srs, qld, qrd, sld, srd, gcn_w, gcn_b,
                p1w, p1b, p2w, p2b, ln_a, ln_b, w_ih, w_hh, b_ih, b_hh,
                nbr_ref, out):
  f32 = jnp.float32
  nbr = nbr_ref[0, 0]
  gw = gcn_w[...]
  gb = gcn_b[...]

  def enc(s, d):
    y = lax.dot_general(s, gw, (((1,), (1,)), ((), ())),
                        preferred_element_type=f32)
    y = (y + nbr * gb) / d
    return jnp.tanh(y)

  ql = enc(qls[...], qld[...])
  qr = enc(qrs[...], qrd[...])
  sl = enc(sls[...], sld[...])
  sr = enc(srs[...], srd[...])
  qn = jnp.concatenate([ql, qr], axis=1)
  sn = jnp.concatenate([sl, sr], axis=1)

  p1 = p1w[...]
  p2 = p2w[...]
  la = ln_a[...]
  lb = ln_b[...]

  def sup(x):
    h = jnp.maximum(
        lax.dot_general(x, p1, (((1,), (1,)), ((), ())),
                        preferred_element_type=f32) + p1b[...], 0.0)
    h = lax.dot_general(h, p2, (((1,), (1,)), ((), ())),
                        preferred_element_type=f32) + p2b[...]
    z = h + x
    mu = jnp.mean(z, axis=1, keepdims=True)
    var = jnp.sum((z - mu) ** 2, axis=1, keepdims=True) / (z.shape[1] - 1)
    return (z - mu) / (jnp.sqrt(var) + 1e-3) * la + lb

  few = 5
  sg = jnp.mean(sup(sn)[0:few], axis=0, keepdims=True)
  qg = sup(qn)

  bsz = qg.shape[0]
  wih = w_ih[...]
  whh = w_hh[...]
  gi = lax.dot_general(qg, wih, (((1,), (1,)), ((), ())),
                       preferred_element_type=f32) + b_ih[...]
  rr = jnp.broadcast_to(sg, (bsz, _DM))
  c = jnp.zeros((bsz, _HID), f32)
  hr = jnp.zeros((bsz, _HID), f32)
  h = qg
  for _ in range(_STEPS):
    gates = gi + lax.dot_general(hr, whh, (((1,), (1,)), ((), ())),
                                 preferred_element_type=f32) + b_hh[...]
    ig = jax.nn.sigmoid(gates[:, 0:_HID])
    fg = jax.nn.sigmoid(gates[:, _HID:2 * _HID])
    gg = jnp.tanh(gates[:, 2 * _HID:3 * _HID])
    og = jax.nn.sigmoid(gates[:, 3 * _HID:4 * _HID])
    c = fg * c + ig * gg
    hn = og * jnp.tanh(c)
    h = qg + hn[:, 0:_DM]
    hr = jnp.concatenate([h, rr], axis=1)
  out[...] = jnp.sum(h * sg, axis=1, keepdims=True)


def kernel(query, support, query_left_connections, query_left_degrees,
           query_right_connections, query_right_degrees,
           support_left_connections, support_left_degrees,
           support_right_connections, support_right_degrees,
           symbol_emb, gcn_w_w, gcn_w_b, proj1_w, proj1_b, proj2_w, proj2_b,
           ln_a, ln_b, w_ih, w_hh, b_ih, b_hh):
  bsz, nbr = query_left_connections.shape[0], query_left_connections.shape[1]
  few = support_left_connections.shape[0]
  ids_per_row = 2 * nbr
  n_chunks = ids_per_row // _CHUNK
  total = 2 * bsz + 2 * few
  rows_per_w = -(-total // _NW)
  padded = rows_per_w * _NW

  i32 = jnp.int32
  ids = jnp.concatenate([
      query_left_connections.reshape(bsz, ids_per_row).astype(i32),
      query_right_connections.reshape(bsz, ids_per_row).astype(i32),
      support_left_connections.reshape(few, ids_per_row).astype(i32),
      support_right_connections.reshape(few, ids_per_row).astype(i32),
      jnp.broadcast_to(
          jax.lax.iota(i32, ids_per_row)[None, :] * 997,
          (padded - total, ids_per_row)),
  ], axis=0)
  idx = ids.reshape(_NW, rows_per_w * n_chunks, _CHUNK)

  emb128 = jnp.pad(symbol_emb, ((0, 7), (0, _EMBED)))
  sums = _sc_segment_sum(emb128, idx, rows_per_w, n_chunks)
  sums = sums.reshape(padded, _DM)

  f32 = jnp.float32
  pad3 = jnp.zeros((8 - few, _DM), f32)
  qls = sums[0:bsz]
  qrs = sums[bsz:2 * bsz]
  sls = jnp.concatenate([sums[2 * bsz:2 * bsz + few], pad3], axis=0)
  srs = jnp.concatenate([sums[2 * bsz + few:2 * bsz + 2 * few], pad3], axis=0)

  one3 = jnp.ones((8 - few, 1), f32)
  qld = query_left_degrees.reshape(bsz, 1).astype(f32)
  qrd = query_right_degrees.reshape(bsz, 1).astype(f32)
  sld = jnp.concatenate([support_left_degrees.reshape(few, 1).astype(f32), one3], axis=0)
  srd = jnp.concatenate([support_right_degrees.reshape(few, 1).astype(f32), one3], axis=0)

  nbr_arr = jnp.full((1, 1), float(nbr), f32)

  scores = pl.pallas_call(
      _dense_body,
      out_shape=jax.ShapeDtypeStruct((bsz, 1), f32),
  )(qls, qrs, sls, srs, qld, qrd, sld, srd,
    gcn_w_w.astype(f32), gcn_w_b.reshape(1, -1).astype(f32),
    proj1_w.astype(f32), proj1_b.reshape(1, -1).astype(f32),
    proj2_w.astype(f32), proj2_b.reshape(1, -1).astype(f32),
    ln_a.reshape(1, -1).astype(f32), ln_b.reshape(1, -1).astype(f32),
    w_ih.astype(f32), w_hh.astype(f32),
    b_ih.reshape(1, -1).astype(f32), b_hh.reshape(1, -1).astype(f32),
    nbr_arr)
  return scores[:, 0]

# --- scband reference (transcript-rebuilt; emitter-appended) ---
"""Pipeline reference for scband-embed-matcher-90220083020358 (READ-ONLY COPY).

The authoritative reference and input builder live on the scoring server;
editing this copy changes nothing except your own understanding.
"""

import jax, jax.numpy as jnp
import numpy as np

EMBED_DIM = 64
NUM_SYMBOLS = 1000000
D_MODEL = 2 * EMBED_DIM
HIDDEN = 2 * D_MODEL
STEPS = 4
B = 1024
FEW = 5
NBR = 200


def setup_inputs(seed: int = 0):
    key = jax.random.key(seed)
    ks = [jax.random.fold_in(key, i) for i in range(20)]
    inp = {}
    inp["query"] = jax.random.randint(ks[0], (B, 2), 0, NUM_SYMBOLS)
    inp["support"] = jax.random.randint(ks[1], (FEW, 2), 0, NUM_SYMBOLS)
    inp["query_left_connections"] = jax.random.randint(ks[2], (B, NBR, 2), 0, NUM_SYMBOLS)
    inp["query_left_degrees"] = jnp.ones((B,), jnp.float32)
    inp["query_right_connections"] = jax.random.randint(ks[3], (B, NBR, 2), 0, NUM_SYMBOLS)
    inp["query_right_degrees"] = jnp.ones((B,), jnp.float32)
    inp["support_left_connections"] = jax.random.randint(ks[4], (FEW, NBR, 2), 0, NUM_SYMBOLS)
    inp["support_left_degrees"] = jnp.ones((FEW,), jnp.float32)
    inp["support_right_connections"] = jax.random.randint(ks[5], (FEW, NBR, 2), 0, NUM_SYMBOLS)
    inp["support_right_degrees"] = jnp.ones((FEW,), jnp.float32)
    # learned parameters
    emb = jax.random.normal(ks[6], (NUM_SYMBOLS + 1, EMBED_DIM), jnp.float32) * 0.02
    inp["symbol_emb"] = emb.at[NUM_SYMBOLS].set(0.0)  # padding row
    inp["gcn_w_w"] = jax.random.normal(ks[7], (EMBED_DIM, D_MODEL), jnp.float32) * (1.0 / np.sqrt(D_MODEL))
    inp["gcn_w_b"] = jnp.zeros((EMBED_DIM,), jnp.float32)
    inp["proj1_w"] = jax.random.normal(ks[8], (2 * D_MODEL, D_MODEL), jnp.float32) * 0.05
    inp["proj1_b"] = jnp.zeros((2 * D_MODEL,), jnp.float32)
    inp["proj2_w"] = jax.random.normal(ks[9], (D_MODEL, 2 * D_MODEL), jnp.float32) * 0.05
    inp["proj2_b"] = jnp.zeros((D_MODEL,), jnp.float32)
    inp["ln_a"] = jnp.ones((D_MODEL,), jnp.float32)
    inp["ln_b"] = jnp.zeros((D_MODEL,), jnp.float32)
    inp["w_ih"] = jax.random.normal(ks[10], (4 * HIDDEN, D_MODEL), jnp.float32) * 0.05
    inp["w_hh"] = jax.random.normal(ks[11], (4 * HIDDEN, HIDDEN), jnp.float32) * 0.05
    inp["b_ih"] = jnp.zeros((4 * HIDDEN,), jnp.float32)
    inp["b_hh"] = jnp.zeros((4 * HIDDEN,), jnp.float32)
    return inp


def reference(query, support, query_left_connections, query_left_degrees,
              query_right_connections, query_right_degrees,
              support_left_connections, support_left_degrees,
              support_right_connections, support_right_degrees,
              symbol_emb, gcn_w_w, gcn_w_b, proj1_w, proj1_b, proj2_w, proj2_b,
              ln_a, ln_b, w_ih, w_hh, b_ih, b_hh):
    # dropout layers are identity in eval mode
    def neighbor_encoder(conn, deg):
        rel = jnp.take(symbol_emb, conn[:, :, 0], axis=0)
        ent = jnp.take(symbol_emb, conn[:, :, 1], axis=0)
        cat = jnp.concatenate([rel, ent], axis=-1)
        out = cat @ gcn_w_w.T + gcn_w_b
        out = jnp.sum(out, axis=1) / deg[:, None]
        return jnp.tanh(out)

    def layer_norm(z):
        mu = jnp.mean(z, axis=-1, keepdims=True)
        sigma = jnp.std(z, axis=-1, keepdims=True, ddof=1)  # torch.std is unbiased
        return (z - mu) / (sigma + 1e-3) * ln_a + ln_b

    def support_encoder(x):
        h = jax.nn.relu(x @ proj1_w.T + proj1_b)
        h = h @ proj2_w.T + proj2_b
        return layer_norm(h + x)

    ql = neighbor_encoder(query_left_connections, query_left_degrees)
    qr = neighbor_encoder(query_right_connections, query_right_degrees)
    sl = neighbor_encoder(support_left_connections, support_left_degrees)
    sr = neighbor_encoder(support_right_connections, support_right_degrees)
    query_neighbor = jnp.concatenate([ql, qr], axis=-1)
    support_neighbor = jnp.concatenate([sl, sr], axis=-1)
    support_g = jnp.mean(support_encoder(support_neighbor), axis=0, keepdims=True)
    query_g = support_encoder(query_neighbor)

    bsz = query_g.shape[0]
    h_r = jnp.zeros((bsz, HIDDEN), jnp.float32)
    c = jnp.zeros((bsz, HIDDEN), jnp.float32)
    h = query_g
    for _ in range(STEPS):
        gates = query_g @ w_ih.T + b_ih + h_r @ w_hh.T + b_hh
        i, f, g, o = jnp.split(gates, 4, axis=1)
        i = jax.nn.sigmoid(i)
        f = jax.nn.sigmoid(f)
        g = jnp.tanh(g)
        o = jax.nn.sigmoid(o)
        c = f * c + i * g
        h_new = o * jnp.tanh(c)
        h = query_g + h_new[:, :D_MODEL]
        attn = jax.nn.softmax(h @ support_g.T, axis=1)
        r = attn @ support_g
        h_r = jnp.concatenate([h, r], axis=1)
    matching_scores = jnp.squeeze(h @ support_g.T)
    return matching_scores

if __name__ == "__main__":
    import jax
    _d = setup_inputs()
    print(jax.jit(kernel)(*tuple(_d.values())))

</pallas_src>

<mosaic_0001>
#map = affine_map<(d0, d1) -> (0, 0)>
#map1 = affine_map<(d0, d1) -> (0, 0, 0)>
module attributes {stable_mosaic.version = 14 : i64} {
  func.func @seg_sum(%arg0: i32, %arg1: i32, %arg2: memref<1000008x128xf32, #tpu.memory_space<hbm>>, %arg3: memref<32x260x100xi32, #tpu.memory_space<hbm>>, %arg4: memref<32x65x128xf32, #tpu.memory_space<hbm>>, %arg5: memref<260x100xi32, #tpu.memory_space<vmem>>, %arg6: memref<6x100x128xf32, #tpu.memory_space<vmem>>, %arg7: memref<65x128xf32, #tpu.memory_space<vmem>>, %arg8: memref<6x!tpu.dma_semaphore, #tpu.memory_space<semaphore_mem>>) attributes {dimension_semantics = [#tpu.dimension_semantics<core_parallel>, #tpu.dimension_semantics<subcore_parallel>], iteration_bounds = array<i64: 2, 16>, scalar_prefetch = 0 : i64, scratch_operands = 4 : i64, tpu.core_type = #tpu.core_type<sc_vector_subcore>, window_params = [{transform_indices = #map}, {transform_indices = #map1}, {transform_indices = #map1}]} {
    %mul3A = arith.constant 2 : i32
    %mul3A_0 = arith.muli %arg1, %mul3A : i32
    %add3A = arith.addi %mul3A_0, %arg0 : i32
    "tpu.region"() ({
      %run_scoped3A = tpu.sem_alloc : memref<!tpu.dma_semaphore, #tpu.memory_space<semaphore_mem>>
      %dma_start3A_96 = arith.constant 0 : i32
      %dma_start3A_97 = arith.constant 0 : i32
      %dma_start3A_98 = tpu.memref_slice %arg3[%add3A, %dma_start3A_96, %dma_start3A_97] : memref<32x260x100xi32, #tpu.memory_space<hbm>> -> memref<1x260x100xi32, #tpu.memory_space<hbm>>
      %dma_start3A_99 = tpu.memref_squeeze %dma_start3A_98 : memref<1x260x100xi32, #tpu.memory_space<hbm>> -> memref<260x100xi32, #tpu.memory_space<hbm>>
      %dma_start3A_100 = arith.constant 0 : i32
      %dma_start3A_101 = arith.constant 0 : i32
      %dma_start3A_102 = tpu.memref_slice %arg3[%add3A, %dma_start3A_100, %dma_start3A_101] : memref<32x260x100xi32, #tpu.memory_space<hbm>> -> memref<1x260x100xi32, #tpu.memory_space<hbm>>
      %dma_start3A_103 = tpu.memref_squeeze %dma_start3A_102 : memref<1x260x100xi32, #tpu.memory_space<hbm>> -> memref<260x100xi32, #tpu.memory_space<hbm>>
      tpu.enqueue_dma source(%dma_start3A_103 : memref<260x100xi32, #tpu.memory_space<hbm>>) target(%arg5 : memref<260x100xi32, #tpu.memory_space<vmem>>) target_semaphore(%run_scoped3A : memref<!tpu.dma_semaphore, #tpu.memory_space<semaphore_mem>>)
      %dma_wait3A = arith.constant 0 : i32
      %dma_wait3A_104 = arith.constant 0 : i32
      %dma_wait3A_105 = tpu.memref_slice %arg3[%add3A, %dma_wait3A, %dma_wait3A_104] : memref<32x260x100xi32, #tpu.memory_space<hbm>> -> memref<1x260x100xi32, #tpu.memory_space<hbm>>
      %dma_wait3A_106 = tpu.memref_squeeze %dma_wait3A_105 : memref<1x260x100xi32, #tpu.memory_space<hbm>> -> memref<260x100xi32, #tpu.memory_space<hbm>>
      %dma_wait3A_107 = arith.constant 0 : i32
      %dma_wait3A_108 = arith.constant 0 : i32
      %dma_wait3A_109 = tpu.memref_slice %arg3[%add3A, %dma_wait3A_107, %dma_wait3A_108] : memref<32x260x100xi32, #tpu.memory_space<hbm>> -> memref<1x260x100xi32, #tpu.memory_space<hbm>>
      %dma_wait3A_110 = tpu.memref_squeeze %dma_wait3A_109 : memref<1x260x100xi32, #tpu.memory_space<hbm>> -> memref<260x100xi32, #tpu.memory_space<hbm>>
      tpu.wait_dma2 semaphore(%run_scoped3A : memref<!tpu.dma_semaphore, #tpu.memory_space<semaphore_mem>>) src(%dma_wait3A_110 : memref<260x100xi32, #tpu.memory_space<hbm>>) dst(%arg5 : memref<260x100xi32, #tpu.memory_space<vmem>>)
      tpu.yield
    }) : () -> ()
    %dma_start3A = arith.constant 0 : i32
    %dma_start3A_1 = arith.constant 0 : i32
    %dma_start3A_2 = arith.constant 0 : i32
    %dma_start3A_3 = arith.constant 0 : i32
    %dma_start3A_4 = arith.constant 0 : i32
    %dma_start3A_5 = tpu.memref_slice %arg6[%dma_start3A_1, %dma_start3A_3, %dma_start3A_4] : memref<6x100x128xf32, #tpu.memory_space<vmem>> -> memref<1x100x128xf32, #tpu.memory_space<vmem>>
    %dma_start3A_6 = tpu.memref_squeeze %dma_start3A_5 : memref<1x100x128xf32, #tpu.memory_space<vmem>> -> memref<100x128xf32, #tpu.memory_space<vmem>>
    %dma_start3A_7 = arith.constant 0 : i32
    %dma_start3A_8 = tpu.memref_slice %arg5[%dma_start3A, %dma_start3A_7] : memref<260x100xi32, #tpu.memory_space<vmem>> -> memref<1x100xi32, #tpu.memory_space<vmem>>
    %dma_start3A_9 = tpu.memref_squeeze %dma_start3A_8 : memref<1x100xi32, #tpu.memory_space<vmem>> -> memref<100xi32, #tpu.memory_space<vmem>>
    %dma_start3A_10 = arith.constant 0 : i32
    %dma_start3A_11 = arith.constant 0 : i32
    %dma_start3A_12 = tpu.memref_slice %arg2[%dma_start3A_10, %dma_start3A_11] : memref<1000008x128xf32, #tpu.memory_space<hbm>> -> memref<1000008x128xf32, #tpu.memory_space<hbm>>
    %dma_start3A_13 = tpu.memref_slice %arg8[%dma_start3A_2] : memref<6x!tpu.dma_semaphore, #tpu.memory_space<semaphore_mem>> -> memref<1x!tpu.dma_semaphore, #tpu.memory_space<semaphore_mem>>
    %dma_start3A_14 = tpu.memref_squeeze %dma_start3A_13 : memref<1x!tpu.dma_semaphore, #tpu.memory_space<semaphore_mem>> -> memref<!tpu.dma_semaphore, #tpu.memory_space<semaphore_mem>>
    tpu.enqueue_indirect_dma source(%dma_start3A_12 : memref<1000008x128xf32, #tpu.memory_space<hbm>>) target(%dma_start3A_6 : memref<100x128xf32, #tpu.memory_space<vmem>>) offsets(%dma_start3A_9 : memref<100xi32, #tpu.memory_space<vmem>>) semaphore(%dma_start3A_14 : memref<!tpu.dma_semaphore, #tpu.memory_space<semaphore_mem>>)
    %dma_start3A_15 = arith.constant 1 : i32
    %dma_start3A_16 = arith.constant 1 : i32
    %dma_start3A_17 = arith.constant 1 : i32
    %dma_start3A_18 = arith.constant 0 : i32
    %dma_start3A_19 = arith.constant 0 : i32
    %dma_start3A_20 = tpu.memref_slice %arg6[%dma_start3A_16, %dma_start3A_18, %dma_start3A_19] : memref<6x100x128xf32, #tpu.memory_space<vmem>> -> memref<1x100x128xf32, #tpu.memory_space<vmem>>
    %dma_start3A_21 = tpu.memref_squeeze %dma_start3A_20 : memref<1x100x128xf32, #tpu.memory_space<vmem>> -> memref<100x128xf32, #tpu.memory_space<vmem>>
    %dma_start3A_22 = arith.constant 0 : i32
    %dma_start3A_23 = tpu.memref_slice %arg5[%dma_start3A_15, %dma_start3A_22] : memref<260x100xi32, #tpu.memory_space<vmem>> -> memref<1x100xi32, #tpu.memory_space<vmem>>
    %dma_start3A_24 = tpu.memref_squeeze %dma_start3A_23 : memref<1x100xi32, #tpu.memory_space<vmem>> -> memref<100xi32, #tpu.memory_space<vmem>>
    %dma_start3A_25 = arith.constant 0 : i32
    %dma_start3A_26 = arith.constant 0 : i32
    %dma_start3A_27 = tpu.memref_slice %arg2[%dma_start3A_25, %dma_start3A_26] : memref<1000008x128xf32, #tpu.memory_space<hbm>> -> memref<1000008x128xf32, #tpu.memory_space<hbm>>
    %dma_start3A_28 = tpu.memref_slice %arg8[%dma_start3A_17] : memref<6x!tpu.dma_semaphore, #tpu.memory_space<semaphore_mem>> -> memref<1x!tpu.dma_semaphore, #tpu.memory_space<semaphore_mem>>
    %dma_start3A_29 = tpu.memref_squeeze %dma_start3A_28 : memref<1x!tpu.dma_semaphore, #tpu.memory_space<semaphore_mem>> -> memref<!tpu.dma_semaphore, #tpu.memory_space<semaphore_mem>>
    tpu.enqueue_indirect_dma source(%dma_start3A_27 : memref<1000008x128xf32, #tpu.memory_space<hbm>>) target(%dma_start3A_21 : memref<100x128xf32, #tpu.memory_space<vmem>>) offsets(%dma_start3A_24 : memref<100xi32, #tpu.memory_space<vmem>>) semaphore(%dma_start3A_29 : memref<!tpu.dma_semaphore, #tpu.memory_space<semaphore_mem>>)
    %dma_start3A_30 = arith.constant 2 : i32
    %dma_start3A_31 = arith.constant 2 : i32
    %dma_start3A_32 = arith.constant 2 : i32
    %dma_start3A_33 = arith.constant 0 : i32
    %dma_start3A_34 = arith.constant 0 : i32
    %dma_start3A_35 = tpu.memref_slice %arg6[%dma_start3A_31, %dma_start3A_33, %dma_start3A_34] : memref<6x100x128xf32, #tpu.memory_space<vmem>> -> memref<1x100x128xf32, #tpu.memory_space<vmem>>
    %dma_start3A_36 = tpu.memref_squeeze %dma_start3A_35 : memref<1x100x128xf32, #tpu.memory_space<vmem>> -> memref<100x128xf32, #tpu.memory_space<vmem>>
    %dma_start3A_37 = arith.constant 0 : i32
    %dma_start3A_38 = tpu.memref_slice %arg5[%dma_start3A_30, %dma_start3A_37] : memref<260x100xi32, #tpu.memory_space<vmem>> -> memref<1x100xi32, #tpu.memory_space<vmem>>
    %dma_start3A_39 = tpu.memref_squeeze %dma_start3A_38 : memref<1x100xi32, #tpu.memory_space<vmem>> -> memref<100xi32, #tpu.memory_space<vmem>>
    %dma_start3A_40 = arith.constant 0 : i32
    %dma_start3A_41 = arith.constant 0 : i32
    %dma_start3A_42 = tpu.memref_slice %arg2[%dma_start3A_40, %dma_start3A_41] : memref<1000008x128xf32, #tpu.memory_space<hbm>> -> memref<1000008x128xf32, #tpu.memory_space<hbm>>
    %dma_start3A_43 = tpu.memref_slice %arg8[%dma_start3A_32] : memref<6x!tpu.dma_semaphore, #tpu.memory_space<semaphore_mem>> -> memref<1x!tpu.dma_semaphore, #tpu.memory_space<semaphore_mem>>
    %dma_start3A_44 = tpu.memref_squeeze %dma_start3A_43 : memref<1x!tpu.dma_semaphore, #tpu.memory_space<semaphore_mem>> -> memref<!tpu.dma_semaphore, #tpu.memory_space<semaphore_mem>>
    tpu.enqueue_indirect_dma source(%dma_start3A_42 : memref<1000008x128xf32, #tpu.memory_space<hbm>>) target(%dma_start3A_36 : memref<100x128xf32, #tpu.memory_space<vmem>>) offsets(%dma_start3A_39 : memref<100xi32, #tpu.memory_space<vmem>>) semaphore(%dma_start3A_44 : memref<!tpu.dma_semaphore, #tpu.memory_space<semaphore_mem>>)
    %dma_start3A_45 = arith.constant 3 : i32
    %dma_start3A_46 = arith.constant 3 : i32
    %dma_start3A_47 = arith.constant 3 : i32
    %dma_start3A_48 = arith.constant 0 : i32
    %dma_start3A_49 = arith.constant 0 : i32
    %dma_start3A_50 = tpu.memref_slice %arg6[%dma_start3A_46, %dma_start3A_48, %dma_start3A_49] : memref<6x100x128xf32, #tpu.memory_space<vmem>> -> memref<1x100x128xf32, #tpu.memory_space<vmem>>
    %dma_start3A_51 = tpu.memref_squeeze %dma_start3A_50 : memref<1x100x128xf32, #tpu.memory_space<vmem>> -> memref<100x128xf32, #tpu.memory_space<vmem>>
    %dma_start3A_52 = arith.constant 0 : i32
    %dma_start3A_53 = tpu.memref_slice %arg5[%dma_start3A_45, %dma_start3A_52] : memref<260x100xi32, #tpu.memory_space<vmem>> -> memref<1x100xi32, #tpu.memory_space<vmem>>
    %dma_start3A_54 = tpu.memref_squeeze %dma_start3A_53 : memref<1x100xi32, #tpu.memory_space<vmem>> -> memref<100xi32, #tpu.memory_space<vmem>>
    %dma_start3A_55 = arith.constant 0 : i32
    %dma_start3A_56 = arith.constant 0 : i32
    %dma_start3A_57 = tpu.memref_slice %arg2[%dma_start3A_55, %dma_start3A_56] : memref<1000008x128xf32, #tpu.memory_space<hbm>> -> memref<1000008x128xf32, #tpu.memory_space<hbm>>
    %dma_start3A_58 = tpu.memref_slice %arg8[%dma_start3A_47] : memref<6x!tpu.dma_semaphore, #tpu.memory_space<semaphore_mem>> -> memref<1x!tpu.dma_semaphore, #tpu.memory_space<semaphore_mem>>
    %dma_start3A_59 = tpu.memref_squeeze %dma_start3A_58 : memref<1x!tpu.dma_semaphore, #tpu.memory_space<semaphore_mem>> -> memref<!tpu.dma_semaphore, #tpu.memory_space<semaphore_mem>>
    tpu.enqueue_indirect_dma source(%dma_start3A_57 : memref<1000008x128xf32, #tpu.memory_space<hbm>>) target(%dma_start3A_51 : memref<100x128xf32, #tpu.memory_space<vmem>>) offsets(%dma_start3A_54 : memref<100xi32, #tpu.memory_space<vmem>>) semaphore(%dma_start3A_59 : memref<!tpu.dma_semaphore, #tpu.memory_space<semaphore_mem>>)
    %dma_start3A_60 = arith.constant 4 : i32
    %dma_start3A_61 = arith.constant 4 : i32
    %dma_start3A_62 = arith.constant 4 : i32
    %dma_start3A_63 = arith.constant 0 : i32
    %dma_start3A_64 = arith.constant 0 : i32
    %dma_start3A_65 = tpu.memref_slice %arg6[%dma_start3A_61, %dma_start3A_63, %dma_start3A_64] : memref<6x100x128xf32, #tpu.memory_space<vmem>> -> memref<1x100x128xf32, #tpu.memory_space<vmem>>
    %dma_start3A_66 = tpu.memref_squeeze %dma_start3A_65 : memref<1x100x128xf32, #tpu.memory_space<vmem>> -> memref<100x128xf32, #tpu.memory_space<vmem>>
    %dma_start3A_67 = arith.constant 0 : i32
    %dma_start3A_68 = tpu.memref_slice %arg5[%dma_start3A_60, %dma_start3A_67] : memref<260x100xi32, #tpu.memory_space<vmem>> -> memref<1x100xi32, #tpu.memory_space<vmem>>
    %dma_start3A_69 = tpu.memref_squeeze %dma_start3A_68 : memref<1x100xi32, #tpu.memory_space<vmem>> -> memref<100xi32, #tpu.memory_space<vmem>>
    %dma_start3A_70 = arith.constant 0 : i32
    %dma_start3A_71 = arith.constant 0 : i32
    %dma_start3A_72 = tpu.memref_slice %arg2[%dma_start3A_70, %dma_start3A_71] : memref<1000008x128xf32, #tpu.memory_space<hbm>> -> memref<1000008x128xf32, #tpu.memory_space<hbm>>
    %dma_start3A_73 = tpu.memref_slice %arg8[%dma_start3A_62] : memref<6x!tpu.dma_semaphore, #tpu.memory_space<semaphore_mem>> -> memref<1x!tpu.dma_semaphore, #tpu.memory_space<semaphore_mem>>
    %dma_start3A_74 = tpu.memref_squeeze %dma_start3A_73 : memref<1x!tpu.dma_semaphore, #tpu.memory_space<semaphore_mem>> -> memref<!tpu.dma_semaphore, #tpu.memory_space<semaphore_mem>>
    tpu.enqueue_indirect_dma source(%dma_start3A_72 : memref<1000008x128xf32, #tpu.memory_space<hbm>>) target(%dma_start3A_66 : memref<100x128xf32, #tpu.memory_space<vmem>>) offsets(%dma_start3A_69 : memref<100xi32, #tpu.memory_space<vmem>>) semaphore(%dma_start3A_74 : memref<!tpu.dma_semaphore, #tpu.memory_space<semaphore_mem>>)
    %dma_start3A_75 = arith.constant 5 : i32
    %dma_start3A_76 = arith.constant 5 : i32
    %dma_start3A_77 = arith.constant 5 : i32
    %dma_start3A_78 = arith.constant 0 : i32
    %dma_start3A_79 = arith.constant 0 : i32
    %dma_start3A_80 = tpu.memref_slice %arg6[%dma_start3A_76, %dma_start3A_78, %dma_start3A_79] : memref<6x100x128xf32, #tpu.memory_space<vmem>> -> memref<1x100x128xf32, #tpu.memory_space<vmem>>
    %dma_start3A_81 = tpu.memref_squeeze %dma_start3A_80 : memref<1x100x128xf32, #tpu.memory_space<vmem>> -> memref<100x128xf32, #tpu.memory_space<vmem>>
    %dma_start3A_82 = arith.constant 0 : i32
    %dma_start3A_83 = tpu.memref_slice %arg5[%dma_start3A_75, %dma_start3A_82] : memref<260x100xi32, #tpu.memory_space<vmem>> -> memref<1x100xi32, #tpu.memory_space<vmem>>
    %dma_start3A_84 = tpu.memref_squeeze %dma_start3A_83 : memref<1x100xi32, #tpu.memory_space<vmem>> -> memref<100xi32, #tpu.memory_space<vmem>>
    %dma_start3A_85 = arith.constant 0 : i32
    %dma_start3A_86 = arith.constant 0 : i32
    %dma_start3A_87 = tpu.memref_slice %arg2[%dma_start3A_85, %dma_start3A_86] : memref<1000008x128xf32, #tpu.memory_space<hbm>> -> memref<1000008x128xf32, #tpu.memory_space<hbm>>
    %dma_start3A_88 = tpu.memref_slice %arg8[%dma_start3A_77] : memref<6x!tpu.dma_semaphore, #tpu.memory_space<semaphore_mem>> -> memref<1x!tpu.dma_semaphore, #tpu.memory_space<semaphore_mem>>
    %dma_start3A_89 = tpu.memref_squeeze %dma_start3A_88 : memref<1x!tpu.dma_semaphore, #tpu.memory_space<semaphore_mem>> -> memref<!tpu.dma_semaphore, #tpu.memory_space<semaphore_mem>>
    tpu.enqueue_indirect_dma source(%dma_start3A_87 : memref<1000008x128xf32, #tpu.memory_space<hbm>>) target(%dma_start3A_81 : memref<100x128xf32, #tpu.memory_space<vmem>>) offsets(%dma_start3A_84 : memref<100xi32, #tpu.memory_space<vmem>>) semaphore(%dma_start3A_89 : memref<!tpu.dma_semaphore, #tpu.memory_space<semaphore_mem>>)
    %broadcast_in_dim3A = arith.constant 0.000000e+00 : f32
    %broadcast_in_dim3A_90 = vector.broadcast %broadcast_in_dim3A : f32 to vector<16xf32>
    %scan3A = arith.constant 0 : i32
    %scan3A_91 = arith.constant 260 : i32
    %scan3A_92 = arith.addi %scan3A, %scan3A_91 : i32
    %scan3A_93 = arith.constant 1 : i32
    %scan3A_94:8 = scf.for %scan3A_96 = %scan3A to %scan3A_92 step %scan3A_93 iter_args(%scan3A_97 = %broadcast_in_dim3A_90, %scan3A_98 = %broadcast_in_dim3A_90, %scan3A_99 = %broadcast_in_dim3A_90, %scan3A_100 = %broadcast_in_dim3A_90, %scan3A_101 = %broadcast_in_dim3A_90, %scan3A_102 = %broadcast_in_dim3A_90, %scan3A_103 = %broadcast_in_dim3A_90, %scan3A_104 = %broadcast_in_dim3A_90) -> (vector<16xf32>, vector<16xf32>, vector<16xf32>, vector<16xf32>, vector<16xf32>, vector<16xf32>, vector<16xf32>, vector<16xf32>)  : i32 {
      %rem3A = arith.constant 6 : i32
      %rem3A_105 = arith.remsi %scan3A_96, %rem3A : i32
      %dma_wait3A = arith.constant 0 : i32
      %dma_wait3A_106 = arith.constant 0 : i32
      %dma_wait3A_107 = tpu.memref_slice %arg6[%rem3A_105, %dma_wait3A, %dma_wait3A_106] : memref<6x100x128xf32, #tpu.memory_space<vmem>> -> memref<1x100x128xf32, #tpu.memory_space<vmem>>
      %dma_wait3A_108 = tpu.memref_squeeze %dma_wait3A_107 : memref<1x100x128xf32, #tpu.memory_space<vmem>> -> memref<100x128xf32, #tpu.memory_space<vmem>>
      %dma_wait3A_109 = arith.constant 0 : i32
      %dma_wait3A_110 = tpu.memref_slice %arg5[%scan3A_96, %dma_wait3A_109] : memref<260x100xi32, #tpu.memory_space<vmem>> -> memref<1x100xi32, #tpu.memory_space<vmem>>
      %dma_wait3A_111 = tpu.memref_squeeze %dma_wait3A_110 : memref<1x100xi32, #tpu.memory_space<vmem>> -> memref<100xi32, #tpu.memory_space<vmem>>
      %dma_wait3A_112 = arith.constant 0 : i32
      %dma_wait3A_113 = arith.constant 0 : i32
      %dma_wait3A_114 = tpu.memref_slice %arg2[%dma_wait3A_112, %dma_wait3A_113] : memref<1000008x128xf32, #tpu.memory_space<hbm>> -> memref<1000008x128xf32, #tpu.memory_space<hbm>>
      %dma_wait3A_115 = tpu.memref_slice %arg8[%rem3A_105] : memref<6x!tpu.dma_semaphore, #tpu.memory_space<semaphore_mem>> -> memref<1x!tpu.dma_semaphore, #tpu.memory_space<semaphore_mem>>
      %dma_wait3A_116 = tpu.memref_squeeze %dma_wait3A_115 : memref<1x!tpu.dma_semaphore, #tpu.memory_space<semaphore_mem>> -> memref<!tpu.dma_semaphore, #tpu.memory_space<semaphore_mem>>
      tpu.wait_indirect_dma semaphore(%dma_wait3A_116 : memref<!tpu.dma_semaphore, #tpu.memory_space<semaphore_mem>>) src(%dma_wait3A_114 : memref<1000008x128xf32, #tpu.memory_space<hbm>>) dst(%dma_wait3A_108 : memref<100x128xf32, #tpu.memory_space<vmem>>)
      %scan3A_117 = arith.constant 0 : i32
      %scan3A_118 = arith.constant 50 : i32
      %scan3A_119 = arith.addi %scan3A_117, %scan3A_118 : i32
      %scan3A_120 = arith.constant 1 : i32
      %scan3A_121:8 = scf.for %scan3A_142 = %scan3A_117 to %scan3A_119 step %scan3A_120 iter_args(%scan3A_143 = %scan3A_97, %scan3A_144 = %scan3A_98, %scan3A_145 = %scan3A_99, %scan3A_146 = %scan3A_100, %scan3A_147 = %scan3A_101, %scan3A_148 = %scan3A_102, %scan3A_149 = %scan3A_103, %scan3A_150 = %scan3A_104) -> (vector<16xf32>, vector<16xf32>, vector<16xf32>, vector<16xf32>, vector<16xf32>, vector<16xf32>, vector<16xf32>, vector<16xf32>)  : i32 {
        %mul3A_151 = arith.constant 2 : i32
        %mul3A_152 = arith.muli %mul3A_151, %scan3A_142 : i32
        %get3A = arith.index_cast %rem3A_105 : i32 to index
        %get3A_153 = arith.index_cast %mul3A_152 : i32 to index
        %get3A_154 = arith.constant 0 : index
        %get3A_155 = tpu.vector_load %arg6[%get3A, %get3A_153, %get3A_154] {strides = array<i32>} : memref<6x100x128xf32, #tpu.memory_space<vmem>>, vector<1x1x16xf32>,
        %get3A_156 = vector.shape_cast %get3A_155 : vector<1x1x16xf32> to vector<16xf32>
        %add3A_157 = arith.addf %scan3A_143, %get3A_156 : vector<16xf32>
        %get3A_158 = arith.index_cast %rem3A_105 : i32 to index
        %get3A_159 = arith.index_cast %mul3A_152 : i32 to index
        %get3A_160 = arith.constant 16 : index
        %get3A_161 = tpu.vector_load %arg6[%get3A_158, %get3A_159, %get3A_160] {strides = array<i32>} : memref<6x100x128xf32, #tpu.memory_space<vmem>>, vector<1x1x16xf32>,
        %get3A_162 = vector.shape_cast %get3A_161 : vector<1x1x16xf32> to vector<16xf32>
        %add3A_163 = arith.addf %scan3A_144, %get3A_162 : vector<16xf32>
        %get3A_164 = arith.index_cast %rem3A_105 : i32 to index
        %get3A_165 = arith.index_cast %mul3A_152 : i32 to index
        %get3A_166 = arith.constant 32 : index
        %get3A_167 = tpu.vector_load %arg6[%get3A_164, %get3A_165, %get3A_166] {strides = array<i32>} : memref<6x100x128xf32, #tpu.memory_space<vmem>>, vector<1x1x16xf32>,
        %get3A_168 = vector.shape_cast %get3A_167 : vector<1x1x16xf32> to vector<16xf32>
        %add3A_169 = arith.addf %scan3A_145, %get3A_168 : vector<16xf32>
        %get3A_170 = arith.index_cast %rem3A_105 : i32 to index
        %get3A_171 = arith.index_cast %mul3A_152 : i32 to index
        %get3A_172 = arith.constant 48 : index
        %get3A_173 = tpu.vector_load %arg6[%get3A_170, %get3A_171, %get3A_172] {strides = array<i32>} : memref<6x100x128xf32, #tpu.memory_space<vmem>>, vector<1x1x16xf32>,
        %get3A_174 = vector.shape_cast %get3A_173 : vector<1x1x16xf32> to vector<16xf32>
        %add3A_175 = arith.addf %scan3A_146, %get3A_174 : vector<16xf32>
        %add3A_176 = arith.constant 1 : i32
        %add3A_177 = arith.addi %mul3A_152, %add3A_176 : i32
        %get3A_178 = arith.index_cast %rem3A_105 : i32 to index
        %get3A_179 = arith.index_cast %add3A_177 : i32 to index
        %get3A_180 = arith.constant 0 : index
        %get3A_181 = tpu.vector_load %arg6[%get3A_178, %get3A_179, %get3A_180] {strides = array<i32>} : memref<6x100x128xf32, #tpu.memory_space<vmem>>, vector<1x1x16xf32>,
        %get3A_182 = vector.shape_cast %get3A_181 : vector<1x1x16xf32> to vector<16xf32>
        %add3A_183 = arith.addf %scan3A_147, %get3A_182 : vector<16xf32>
        %add3A_184 = arith.constant 1 : i32
        %add3A_185 = arith.addi %mul3A_152, %add3A_184 : i32
        %get3A_186 = arith.index_cast %rem3A_105 : i32 to index
        %get3A_187 = arith.index_cast %add3A_185 : i32 to index
        %get3A_188 = arith.constant 16 : index
        %get3A_189 = tpu.vector_load %arg6[%get3A_186, %get3A_187, %get3A_188] {strides = array<i32>} : memref<6x100x128xf32, #tpu.memory_space<vmem>>, vector<1x1x16xf32>,
        %get3A_190 = vector.shape_cast %get3A_189 : vector<1x1x16xf32> to vector<16xf32>
        %add3A_191 = arith.addf %scan3A_148, %get3A_190 : vector<16xf32>
        %add3A_192 = arith.constant 1 : i32
        %add3A_193 = arith.addi %mul3A_152, %add3A_192 : i32
        %get3A_194 = arith.index_cast %rem3A_105 : i32 to index
        %get3A_195 = arith.index_cast %add3A_193 : i32 to index
        %get3A_196 = arith.constant 32 : index
        %get3A_197 = tpu.vector_load %arg6[%get3A_194, %get3A_195, %get3A_196] {strides = array<i32>} : memref<6x100x128xf32, #tpu.memory_space<vmem>>, vector<1x1x16xf32>,
        %get3A_198 = vector.shape_cast %get3A_197 : vector<1x1x16xf32> to vector<16xf32>
        %add3A_199 = arith.addf %scan3A_149, %get3A_198 : vector<16xf32>
        %add3A_200 = arith.constant 1 : i32
        %add3A_201 = arith.addi %mul3A_152, %add3A_200 : i32
        %get3A_202 = arith.index_cast %rem3A_105 : i32 to index
        %get3A_203 = arith.index_cast %add3A_201 : i32 to index
        %get3A_204 = arith.constant 48 : index
        %get3A_205 = tpu.vector_load %arg6[%get3A_202, %get3A_203, %get3A_204] {strides = array<i32>} : memref<6x100x128xf32, #tpu.memory_space<vmem>>, vector<1x1x16xf32>,
        %get3A_206 = vector.shape_cast %get3A_205 : vector<1x1x16xf32> to vector<16xf32>
        %add3A_207 = arith.addf %scan3A_150, %get3A_206 : vector<16xf32>
        scf.yield %add3A_157, %add3A_163, %add3A_169, %add3A_175, %add3A_183, %add3A_191, %add3A_199, %add3A_207 : vector<16xf32>, vector<16xf32>, vector<16xf32>, vector<16xf32>, vector<16xf32>, vector<16xf32>, vector<16xf32>, vector<16xf32>
      }
      %scan3A_122 = arith.constant 50 : i32
      %rem3A_123 = arith.constant 4 : i32
      %rem3A_124 = arith.remsi %scan3A_96, %rem3A_123 : i32
      %eq3A = arith.constant 3 : i32
      %eq3A_125 = arith.cmpi eq, %rem3A_124, %eq3A : i32
      %convert_element_type3A = arith.extui %eq3A_125 : i1 to i32
      %cond3A = arith.constant 0 : i32
      %cond3A_126 = arith.cmpi ne, %convert_element_type3A, %cond3A : i32
      scf.if %cond3A_126 {
        %div3A = arith.constant 4 : i32
        %div3A_142 = arith.divsi %scan3A_96, %div3A : i32
        %swap3A = arith.index_cast %div3A_142 : i32 to index
        %swap3A_143 = arith.constant 0 : index
        %swap3A_144 = tpu.vector_load %arg7[%swap3A, %swap3A_143] {strides = array<i32>} : memref<65x128xf32, #tpu.memory_space<vmem>>, vector<1x16xf32>,
        %swap3A_145 = vector.shape_cast %swap3A_144 : vector<1x16xf32> to vector<16xf32>
        %swap3A_146 = vector.shape_cast %scan3A_121#0 : vector<16xf32> to vector<1x16xf32>
        tpu.vector_store %arg7[%swap3A, %swap3A_143], %swap3A_146 {strides = array<i32>} : memref<65x128xf32, #tpu.memory_space<vmem>>, vector<1x16xf32>,
        %swap3A_147 = arith.index_cast %div3A_142 : i32 to index
        %swap3A_148 = arith.constant 16 : index
        %swap3A_149 = tpu.vector_load %arg7[%swap3A_147, %swap3A_148] {strides = array<i32>} : memref<65x128xf32, #tpu.memory_space<vmem>>, vector<1x16xf32>,
        %swap3A_150 = vector.shape_cast %swap3A_149 : vector<1x16xf32> to vector<16xf32>
        %swap3A_151 = vector.shape_cast %scan3A_121#1 : vector<16xf32> to vector<1x16xf32>
        tpu.vector_store %arg7[%swap3A_147, %swap3A_148], %swap3A_151 {strides = array<i32>} : memref<65x128xf32, #tpu.memory_space<vmem>>, vector<1x16xf32>,
        %swap3A_152 = arith.index_cast %div3A_142 : i32 to index
        %swap3A_153 = arith.constant 32 : index
        %swap3A_154 = tpu.vector_load %arg7[%swap3A_152, %swap3A_153] {strides = array<i32>} : memref<65x128xf32, #tpu.memory_space<vmem>>, vector<1x16xf32>,
        %swap3A_155 = vector.shape_cast %swap3A_154 : vector<1x16xf32> to vector<16xf32>
        %swap3A_156 = vector.shape_cast %scan3A_121#2 : vector<16xf32> to vector<1x16xf32>
        tpu.vector_store %arg7[%swap3A_152, %swap3A_153], %swap3A_156 {strides = array<i32>} : memref<65x128xf32, #tpu.memory_space<vmem>>, vector<1x16xf32>,
        %swap3A_157 = arith.index_cast %div3A_142 : i32 to index
        %swap3A_158 = arith.constant 48 : index
        %swap3A_159 = tpu.vector_load %arg7[%swap3A_157, %swap3A_158] {strides = array<i32>} : memref<65x128xf32, #tpu.memory_space<vmem>>, vector<1x16xf32>,
        %swap3A_160 = vector.shape_cast %swap3A_159 : vector<1x16xf32> to vector<16xf32>
        %swap3A_161 = vector.shape_cast %scan3A_121#3 : vector<16xf32> to vector<1x16xf32>
        tpu.vector_store %arg7[%swap3A_157, %swap3A_158], %swap3A_161 {strides = array<i32>} : memref<65x128xf32, #tpu.memory_space<vmem>>, vector<1x16xf32>,
        %swap3A_162 = arith.index_cast %div3A_142 : i32 to index
        %swap3A_163 = arith.constant 64 : index
        %swap3A_164 = tpu.vector_load %arg7[%swap3A_162, %swap3A_163] {strides = array<i32>} : memref<65x128xf32, #tpu.memory_space<vmem>>, vector<1x16xf32>,
        %swap3A_165 = vector.shape_cast %swap3A_164 : vector<1x16xf32> to vector<16xf32>
        %swap3A_166 = vector.shape_cast %scan3A_121#4 : vector<16xf32> to vector<1x16xf32>
        tpu.vector_store %arg7[%swap3A_162, %swap3A_163], %swap3A_166 {strides = array<i32>} : memref<65x128xf32, #tpu.memory_space<vmem>>, vector<1x16xf32>,
        %swap3A_167 = arith.index_cast %div3A_142 : i32 to index
        %swap3A_168 = arith.constant 80 : index
        %swap3A_169 = tpu.vector_load %arg7[%swap3A_167, %swap3A_168] {strides = array<i32>} : memref<65x128xf32, #tpu.memory_space<vmem>>, vector<1x16xf32>,
        %swap3A_170 = vector.shape_cast %swap3A_169 : vector<1x16xf32> to vector<16xf32>
        %swap3A_171 = vector.shape_cast %scan3A_121#5 : vector<16xf32> to vector<1x16xf32>
        tpu.vector_store %arg7[%swap3A_167, %swap3A_168], %swap3A_171 {strides = array<i32>} : memref<65x128xf32, #tpu.memory_space<vmem>>, vector<1x16xf32>,
        %swap3A_172 = arith.index_cast %div3A_142 : i32 to index
        %swap3A_173 = arith.constant 96 : index
        %swap3A_174 = tpu.vector_load %arg7[%swap3A_172, %swap3A_173] {strides = array<i32>} : memref<65x128xf32, #tpu.memory_space<vmem>>, vector<1x16xf32>,
        %swap3A_175 = vector.shape_cast %swap3A_174 : vector<1x16xf32> to vector<16xf32>
        %swap3A_176 = vector.shape_cast %scan3A_121#6 : vector<16xf32> to vector<1x16xf32>
        tpu.vector_store %arg7[%swap3A_172, %swap3A_173], %swap3A_176 {strides = array<i32>} : memref<65x128xf32, #tpu.memory_space<vmem>>, vector<1x16xf32>,
        %swap3A_177 = arith.index_cast %div3A_142 : i32 to index
        %swap3A_178 = arith.constant 112 : index
        %swap3A_179 = tpu.vector_load %arg7[%swap3A_177, %swap3A_178] {strides = array<i32>} : memref<65x128xf32, #tpu.memory_space<vmem>>, vector<1x16xf32>,
        %swap3A_180 = vector.shape_cast %swap3A_179 : vector<1x16xf32> to vector<16xf32>
        %swap3A_181 = vector.shape_cast %scan3A_121#7 : vector<16xf32> to vector<1x16xf32>
        tpu.vector_store %arg7[%swap3A_177, %swap3A_178], %swap3A_181 {strides = array<i32>} : memref<65x128xf32, #tpu.memory_space<vmem>>, vector<1x16xf32>,
      } else {
      }
      %add3A_127 = arith.constant 6 : i32
      %add3A_128 = arith.addi %scan3A_96, %add3A_127 : i32
      %lt3A = arith.constant 260 : i32
      %lt3A_129 = arith.cmpi slt, %add3A_128, %lt3A : i32
      %convert_element_type3A_130 = arith.extui %lt3A_129 : i1 to i32
      %cond3A_131 = arith.constant 0 : i32
      %cond3A_132 = arith.cmpi ne, %convert_element_type3A_130, %cond3A_131 : i32
      scf.if %cond3A_132 {
        %add3A_142 = arith.constant 6 : i32
        %add3A_143 = arith.addi %scan3A_96, %add3A_142 : i32
        %dma_start3A_144 = arith.constant 0 : i32
        %dma_start3A_145 = arith.constant 0 : i32
        %dma_start3A_146 = tpu.memref_slice %arg6[%rem3A_105, %dma_start3A_144, %dma_start3A_145] : memref<6x100x128xf32, #tpu.memory_space<vmem>> -> memref<1x100x128xf32, #tpu.memory_space<vmem>>
        %dma_start3A_147 = tpu.memref_squeeze %dma_start3A_146 : memref<1x100x128xf32, #tpu.memory_space<vmem>> -> memref<100x128xf32, #tpu.memory_space<vmem>>
        %dma_start3A_148 = arith.constant 0 : i32
        %dma_start3A_149 = tpu.memref_slice %arg5[%add3A_143, %dma_start3A_148] : memref<260x100xi32, #tpu.memory_space<vmem>> -> memref<1x100xi32, #tpu.memory_space<vmem>>
        %dma_start3A_150 = tpu.memref_squeeze %dma_start3A_149 : memref<1x100xi32, #tpu.memory_space<vmem>> -> memref<100xi32, #tpu.memory_space<vmem>>
        %dma_start3A_151 = arith.constant 0 : i32
        %dma_start3A_152 = arith.constant 0 : i32
        %dma_start3A_153 = tpu.memref_slice %arg2[%dma_start3A_151, %dma_start3A_152] : memref<1000008x128xf32, #tpu.memory_space<hbm>> -> memref<1000008x128xf32, #tpu.memory_space<hbm>>
        %dma_start3A_154 = tpu.memref_slice %arg8[%rem3A_105] : memref<6x!tpu.dma_semaphore, #tpu.memory_space<semaphore_mem>> -> memref<1x!tpu.dma_semaphore, #tpu.memory_space<semaphore_mem>>
        %dma_start3A_155 = tpu.memref_squeeze %dma_start3A_154 : memref<1x!tpu.dma_semaphore, #tpu.memory_space<semaphore_mem>> -> memref<!tpu.dma_semaphore, #tpu.memory_space<semaphore_mem>>
        tpu.enqueue_indirect_dma source(%dma_start3A_153 : memref<1000008x128xf32, #tpu.memory_space<hbm>>) target(%dma_start3A_147 : memref<100x128xf32, #tpu.memory_space<vmem>>) offsets(%dma_start3A_150 : memref<100xi32, #tpu.memory_space<vmem>>) semaphore(%dma_start3A_155 : memref<!tpu.dma_semaphore, #tpu.memory_space<semaphore_mem>>)
      } else {
      }
      %broadcast_in_dim3A_133 = arith.constant 0.000000e+00 : f32
      %broadcast_in_dim3A_134 = vector.broadcast %broadcast_in_dim3A_133 : f32 to vector<16xf32>
      %select_n3A = arith.select %eq3A_125, %broadcast_in_dim3A_134, %scan3A_121#0 : vector<16xf32>
      %select_n3A_135 = arith.select %eq3A_125, %broadcast_in_dim3A_134, %scan3A_121#1 : vector<16xf32>
      %select_n3A_136 = arith.select %eq3A_125, %broadcast_in_dim3A_134, %scan3A_121#2 : vector<16xf32>
      %select_n3A_137 = arith.select %eq3A_125, %broadcast_in_dim3A_134, %scan3A_121#3 : vector<16xf32>
      %select_n3A_138 = arith.select %eq3A_125, %broadcast_in_dim3A_134, %scan3A_121#4 : vector<16xf32>
      %select_n3A_139 = arith.select %eq3A_125, %broadcast_in_dim3A_134, %scan3A_121#5 : vector<16xf32>
      %select_n3A_140 = arith.select %eq3A_125, %broadcast_in_dim3A_134, %scan3A_121#6 : vector<16xf32>
      %select_n3A_141 = arith.select %eq3A_125, %broadcast_in_dim3A_134, %scan3A_121#7 : vector<16xf32>
      scf.yield %select_n3A, %select_n3A_135, %select_n3A_136, %select_n3A_137, %select_n3A_138, %select_n3A_139, %select_n3A_140, %select_n3A_141 : vector<16xf32>, vector<16xf32>, vector<16xf32>, vector<16xf32>, vector<16xf32>, vector<16xf32>, vector<16xf32>, vector<16xf32>
    }
    %scan3A_95 = arith.constant 260 : i32
    "tpu.region"() ({
      %run_scoped3A = tpu.sem_alloc : memref<!tpu.dma_semaphore, #tpu.memory_space<semaphore_mem>>
      %dma_start3A_96 = arith.constant 0 : i32
      %dma_start3A_97 = arith.constant 0 : i32
      %dma_start3A_98 = tpu.memref_slice %arg4[%add3A, %dma_start3A_96, %dma_start3A_97] : memref<32x65x128xf32, #tpu.memory_space<hbm>> -> memref<1x65x128xf32, #tpu.memory_space<hbm>>
      %dma_start3A_99 = tpu.memref_squeeze %dma_start3A_98 : memref<1x65x128xf32, #tpu.memory_space<hbm>> -> memref<65x128xf32, #tpu.memory_space<hbm>>
      %dma_start3A_100 = arith.constant 0 : i32
      %dma_start3A_101 = arith.constant 0 : i32
      %dma_start3A_102 = tpu.memref_slice %arg4[%add3A, %dma_start3A_100, %dma_start3A_101] : memref<32x65x128xf32, #tpu.memory_space<hbm>> -> memref<1x65x128xf32, #tpu.memory_space<hbm>>
      %dma_start3A_103 = tpu.memref_squeeze %dma_start3A_102 : memref<1x65x128xf32, #tpu.memory_space<hbm>> -> memref<65x128xf32, #tpu.memory_space<hbm>>
      tpu.enqueue_dma source(%arg7 : memref<65x128xf32, #tpu.memory_space<vmem>>) target(%dma_start3A_103 : memref<65x128xf32, #tpu.memory_space<hbm>>) target_semaphore(%run_scoped3A : memref<!tpu.dma_semaphore, #tpu.memory_space<semaphore_mem>>)
      %dma_wait3A = arith.constant 0 : i32
      %dma_wait3A_104 = arith.constant 0 : i32
      %dma_wait3A_105 = tpu.memref_slice %arg4[%add3A, %dma_wait3A, %dma_wait3A_104] : memref<32x65x128xf32, #tpu.memory_space<hbm>> -> memref<1x65x128xf32, #tpu.memory_space<hbm>>
      %dma_wait3A_106 = tpu.memref_squeeze %dma_wait3A_105 : memref<1x65x128xf32, #tpu.memory_space<hbm>> -> memref<65x128xf32, #tpu.memory_space<hbm>>
      %dma_wait3A_107 = arith.constant 0 : i32
      %dma_wait3A_108 = arith.constant 0 : i32
      %dma_wait3A_109 = tpu.memref_slice %arg4[%add3A, %dma_wait3A_107, %dma_wait3A_108] : memref<32x65x128xf32, #tpu.memory_space<hbm>> -> memref<1x65x128xf32, #tpu.memory_space<hbm>>
      %dma_wait3A_110 = tpu.memref_squeeze %dma_wait3A_109 : memref<1x65x128xf32, #tpu.memory_space<hbm>> -> memref<65x128xf32, #tpu.memory_space<hbm>>
      tpu.wait_dma2 semaphore(%run_scoped3A : memref<!tpu.dma_semaphore, #tpu.memory_space<semaphore_mem>>) src(%arg7 : memref<65x128xf32, #tpu.memory_space<vmem>>) dst(%dma_wait3A_110 : memref<65x128xf32, #tpu.memory_space<hbm>>)
      tpu.yield
    }) : () -> ()
    return
  }
}

module attributes {stable_mosaic.version = 14 : i64} {
  func.func @_dense_body(%arg0: memref<1024x128xf32, #tpu.memory_space<vmem>>, %arg1: memref<1024x128xf32, #tpu.memory_space<vmem>>, %arg2: memref<8x128xf32, #tpu.memory_space<vmem>>, %arg3: memref<8x128xf32, #tpu.memory_space<vmem>>, %arg4: memref<1024x1xf32, #tpu.memory_space<vmem>>, %arg5: memref<1024x1xf32, #tpu.memory_space<vmem>>, %arg6: memref<8x1xf32, #tpu.memory_space<vmem>>, %arg7: memref<8x1xf32, #tpu.memory_space<vmem>>, %arg8: memref<64x128xf32, #tpu.memory_space<vmem>>, %arg9: memref<1x64xf32, #tpu.memory_space<vmem>>, %arg10: memref<256x128xf32, #tpu.memory_space<vmem>>, %arg11: memref<1x256xf32, #tpu.memory_space<vmem>>, %arg12: memref<128x256xf32, #tpu.memory_space<vmem>>, %arg13: memref<1x128xf32, #tpu.memory_space<vmem>>, %arg14: memref<1x128xf32, #tpu.memory_space<vmem>>, %arg15: memref<1x128xf32, #tpu.memory_space<vmem>>, %arg16: memref<1024x128xf32, #tpu.memory_space<vmem>>, %arg17: memref<1024x256xf32, #tpu.memory_space<vmem>>, %arg18: memref<1x1024xf32, #tpu.memory_space<vmem>>, %arg19: memref<1x1024xf32, #tpu.memory_space<vmem>>, %arg20: memref<1x1xf32, #tpu.memory_space<vmem>>, %arg21: memref<1024x1xf32, #tpu.memory_space<vmem>>) attributes {dimension_semantics = [], scalar_prefetch = 0 : i64, scratch_operands = 0 : i64, tpu.core_type = #tpu.core_type<tc>} {
    %get3A = arith.constant 0 : index
    %get3A_0 = arith.constant 0 : index
    %get3A_1 = vector.load %arg20[%get3A, %get3A_0] : memref<1x1xf32, #tpu.memory_space<vmem>>, vector<1x1xf32>
    %get3A_2 = vector.extract %get3A_1[0, 0] : f32 from vector<1x1xf32>
    %get3A_3 = arith.constant 0 : index
    %get3A_4 = arith.constant 0 : index
    %get3A_5 = vector.load %arg8[%get3A_3, %get3A_4] : memref<64x128xf32, #tpu.memory_space<vmem>>, vector<64x128xf32>
    %get3A_6 = arith.constant 0 : index
    %get3A_7 = arith.constant 0 : index
    %get3A_8 = vector.load %arg9[%get3A_6, %get3A_7] : memref<1x64xf32, #tpu.memory_space<vmem>>, vector<1x64xf32>
    %get3A_9 = arith.constant 0 : index
    %get3A_10 = arith.constant 0 : index
    %get3A_11 = vector.load %arg0[%get3A_9, %get3A_10] : memref<1024x128xf32, #tpu.memory_space<vmem>>, vector<1024x128xf32>
    %get3A_12 = arith.constant 0 : index
    %get3A_13 = arith.constant 0 : index
    %get3A_14 = vector.load %arg4[%get3A_12, %get3A_13] : memref<1024x1xf32, #tpu.memory_space<vmem>>, vector<1024x1xf32>
    %dot_general3A = arith.constant dense<0.000000e+00> : vector<1024x64xf32>
    %dot_general3A_15 = tpu.matmul %get3A_11, %get3A_5, %dot_general3A {dimension_numbers = #tpu.dot_dimension_numbers<[1], [1], [0], [0], [0, 0, 1, 0], [], []>, transpose_lhs_hint = false} : vector<1024x128xf32>, vector<64x128xf32>, vector<1024x64xf32> -> vector<1024x64xf32>
    %mul3A = vector.broadcast %get3A_2 : f32 to vector<1x64xf32>
    %mul3A_16 = arith.mulf %mul3A, %get3A_8 : vector<1x64xf32>
    %add3A = vector.broadcast %mul3A_16 : vector<1x64xf32> to vector<1024x64xf32>
    %add3A_17 = arith.addf %dot_general3A_15, %add3A : vector<1024x64xf32>
    %div3A = vector.broadcast %get3A_14 : vector<1024x1xf32> to vector<1024x64xf32>
    %div3A_18 = arith.divf %add3A_17, %div3A : vector<1024x64xf32>
    %tanh3A = math.tanh %div3A_18 : vector<1024x64xf32>
    %get3A_19 = arith.constant 0 : index
    %get3A_20 = arith.constant 0 : index
    %get3A_21 = vector.load %arg1[%get3A_19, %get3A_20] : memref<1024x128xf32, #tpu.memory_space<vmem>>, vector<1024x128xf32>
    %get3A_22 = arith.constant 0 : index
    %get3A_23 = arith.constant 0 : index
    %get3A_24 = vector.load %arg5[%get3A_22, %get3A_23] : memref<1024x1xf32, #tpu.memory_space<vmem>>, vector<1024x1xf32>
    %dot_general3A_25 = arith.constant dense<0.000000e+00> : vector<1024x64xf32>
    %dot_general3A_26 = tpu.matmul %get3A_21, %get3A_5, %dot_general3A_25 {dimension_numbers = #tpu.dot_dimension_numbers<[1], [1], [0], [0], [0, 0, 1, 0], [], []>, transpose_lhs_hint = false} : vector<1024x128xf32>, vector<64x128xf32>, vector<1024x64xf32> -> vector<1024x64xf32>
    %mul3A_27 = vector.broadcast %get3A_2 : f32 to vector<1x64xf32>
    %mul3A_28 = arith.mulf %mul3A_27, %get3A_8 : vector<1x64xf32>
    %add3A_29 = vector.broadcast %mul3A_28 : vector<1x64xf32> to vector<1024x64xf32>
    %add3A_30 = arith.addf %dot_general3A_26, %add3A_29 : vector<1024x64xf32>
    %div3A_31 = vector.broadcast %get3A_24 : vector<1024x1xf32> to vector<1024x64xf32>
    %div3A_32 = arith.divf %add3A_30, %div3A_31 : vector<1024x64xf32>
    %tanh3A_33 = math.tanh %div3A_32 : vector<1024x64xf32>
    %get3A_34 = arith.constant 0 : index
    %get3A_35 = arith.constant 0 : index
    %get3A_36 = vector.load %arg2[%get3A_34, %get3A_35] : memref<8x128xf32, #tpu.memory_space<vmem>>, vector<8x128xf32>
    %get3A_37 = arith.constant 0 : index
    %get3A_38 = arith.constant 0 : index
    %get3A_39 = vector.load %arg6[%get3A_37, %get3A_38] : memref<8x1xf32, #tpu.memory_space<vmem>>, vector<8x1xf32>
    %dot_general3A_40 = arith.constant dense<0.000000e+00> : vector<8x64xf32>
    %dot_general3A_41 = tpu.matmul %get3A_36, %get3A_5, %dot_general3A_40 {dimension_numbers = #tpu.dot_dimension_numbers<[1], [1], [0], [0], [0, 0, 1, 0], [], []>, transpose_lhs_hint = false} : vector<8x128xf32>, vector<64x128xf32>, vector<8x64xf32> -> vector<8x64xf32>
    %mul3A_42 = vector.broadcast %get3A_2 : f32 to vector<1x64xf32>
    %mul3A_43 = arith.mulf %mul3A_42, %get3A_8 : vector<1x64xf32>
    %add3A_44 = vector.broadcast %mul3A_43 : vector<1x64xf32> to vector<8x64xf32>
    %add3A_45 = arith.addf %dot_general3A_41, %add3A_44 : vector<8x64xf32>
    %div3A_46 = vector.broadcast %get3A_39 : vector<8x1xf32> to vector<8x64xf32>
    %div3A_47 = arith.divf %add3A_45, %div3A_46 : vector<8x64xf32>
    %tanh3A_48 = math.tanh %div3A_47 : vector<8x64xf32>
    %get3A_49 = arith.constant 0 : index
    %get3A_50 = arith.constant 0 : index
    %get3A_51 = vector.load %arg3[%get3A_49, %get3A_50] : memref<8x128xf32, #tpu.memory_space<vmem>>, vector<8x128xf32>
    %get3A_52 = arith.constant 0 : index
    %get3A_53 = arith.constant 0 : index
    %get3A_54 = vector.load %arg7[%get3A_52, %get3A_53] : memref<8x1xf32, #tpu.memory_space<vmem>>, vector<8x1xf32>
    %dot_general3A_55 = arith.constant dense<0.000000e+00> : vector<8x64xf32>
    %dot_general3A_56 = tpu.matmul %get3A_51, %get3A_5, %dot_general3A_55 {dimension_numbers = #tpu.dot_dimension_numbers<[1], [1], [0], [0], [0, 0, 1, 0], [], []>, transpose_lhs_hint = false} : vector<8x128xf32>, vector<64x128xf32>, vector<8x64xf32> -> vector<8x64xf32>
    %mul3A_57 = vector.broadcast %get3A_2 : f32 to vector<1x64xf32>
    %mul3A_58 = arith.mulf %mul3A_57, %get3A_8 : vector<1x64xf32>
    %add3A_59 = vector.broadcast %mul3A_58 : vector<1x64xf32> to vector<8x64xf32>
    %add3A_60 = arith.addf %dot_general3A_56, %add3A_59 : vector<8x64xf32>
    %div3A_61 = vector.broadcast %get3A_54 : vector<8x1xf32> to vector<8x64xf32>
    %div3A_62 = arith.divf %add3A_60, %div3A_61 : vector<8x64xf32>
    %tanh3A_63 = math.tanh %div3A_62 : vector<8x64xf32>
    %concatenate3A = tpu.concatenate %tanh3A, %tanh3A_33 in 1 : vector<1024x64xf32>, vector<1024x64xf32> -> vector<1024x128xf32>
    %concatenate3A_64 = tpu.concatenate %tanh3A_48, %tanh3A_63 in 1 : vector<8x64xf32>, vector<8x64xf32> -> vector<8x128xf32>
    %get3A_65 = arith.constant 0 : index
    %get3A_66 = arith.constant 0 : index
    %get3A_67 = vector.load %arg10[%get3A_65, %get3A_66] : memref<256x128xf32, #tpu.memory_space<vmem>>, vector<256x128xf32>
    %get3A_68 = arith.constant 0 : index
    %get3A_69 = arith.constant 0 : index
    %get3A_70 = vector.load %arg12[%get3A_68, %get3A_69] : memref<128x256xf32, #tpu.memory_space<vmem>>, vector<128x256xf32>
    %get3A_71 = arith.constant 0 : index
    %get3A_72 = arith.constant 0 : index
    %get3A_73 = vector.load %arg14[%get3A_71, %get3A_72] : memref<1x128xf32, #tpu.memory_space<vmem>>, vector<1x128xf32>
    %get3A_74 = arith.constant 0 : index
    %get3A_75 = arith.constant 0 : index
    %get3A_76 = vector.load %arg15[%get3A_74, %get3A_75] : memref<1x128xf32, #tpu.memory_space<vmem>>, vector<1x128xf32>
    %dot_general3A_77 = arith.constant dense<0.000000e+00> : vector<8x256xf32>
    %dot_general3A_78 = tpu.matmul %concatenate3A_64, %get3A_67, %dot_general3A_77 {dimension_numbers = #tpu.dot_dimension_numbers<[1], [1], [0], [0], [0, 0, 1, 0], [], []>, transpose_lhs_hint = false} : vector<8x128xf32>, vector<256x128xf32>, vector<8x256xf32> -> vector<8x256xf32>
    %get3A_79 = arith.constant 0 : index
    %get3A_80 = arith.constant 0 : index
    %get3A_81 = vector.load %arg11[%get3A_79, %get3A_80] : memref<1x256xf32, #tpu.memory_space<vmem>>, vector<1x256xf32>
    %add3A_82 = vector.broadcast %get3A_81 : vector<1x256xf32> to vector<8x256xf32>
    %add3A_83 = arith.addf %dot_general3A_78, %add3A_82 : vector<8x256xf32>
    %max3A = arith.constant 0.000000e+00 : f32
    %max3A_84 = vector.broadcast %max3A : f32 to vector<8x256xf32>
    %max3A_85 = arith.maximumf %add3A_83, %max3A_84 : vector<8x256xf32>
    %dot_general3A_86 = arith.constant dense<0.000000e+00> : vector<8x128xf32>
    %dot_general3A_87 = tpu.matmul %max3A_85, %get3A_70, %dot_general3A_86 {dimension_numbers = #tpu.dot_dimension_numbers<[1], [1], [0], [0], [0, 0, 1, 0], [], []>, transpose_lhs_hint = false} : vector<8x256xf32>, vector<128x256xf32>, vector<8x128xf32> -> vector<8x128xf32>
    %get3A_88 = arith.constant 0 : index
    %get3A_89 = arith.constant 0 : index
    %get3A_90 = vector.load %arg13[%get3A_88, %get3A_89] : memref<1x128xf32, #tpu.memory_space<vmem>>, vector<1x128xf32>
    %add3A_91 = vector.broadcast %get3A_90 : vector<1x128xf32> to vector<8x128xf32>
    %add3A_92 = arith.addf %dot_general3A_87, %add3A_91 : vector<8x128xf32>
    %add3A_93 = arith.addf %add3A_92, %concatenate3A_64 : vector<8x128xf32>
    %reduce_sum3A = arith.constant dense<0.000000e+00> : vector<8xf32>
    %reduce_sum3A_94 = vector.multi_reduction <add>, %add3A_93, %reduce_sum3A [1] : vector<8x128xf32> to vector<8xf32>
    %broadcast_in_dim3A = vector.shape_cast %reduce_sum3A_94 : vector<8xf32> to vector<8x1xf32>
    %div3A_95 = arith.constant 1.280000e+02 : f32
    %div3A_96 = vector.broadcast %div3A_95 : f32 to vector<8x1xf32>
    %div3A_97 = arith.divf %broadcast_in_dim3A, %div3A_96 : vector<8x1xf32>
    %sub3A = vector.broadcast %div3A_97 : vector<8x1xf32> to vector<8x128xf32>
    %sub3A_98 = arith.subf %add3A_93, %sub3A : vector<8x128xf32>
    %integer_pow3A = arith.mulf %sub3A_98, %sub3A_98 : vector<8x128xf32>
    %reduce_sum3A_99 = arith.constant dense<0.000000e+00> : vector<8xf32>
    %reduce_sum3A_100 = vector.multi_reduction <add>, %integer_pow3A, %reduce_sum3A_99 [1] : vector<8x128xf32> to vector<8xf32>
    %broadcast_in_dim3A_101 = vector.shape_cast %reduce_sum3A_100 : vector<8xf32> to vector<8x1xf32>
    %div3A_102 = arith.constant 1.270000e+02 : f32
    %div3A_103 = vector.broadcast %div3A_102 : f32 to vector<8x1xf32>
    %div3A_104 = arith.divf %broadcast_in_dim3A_101, %div3A_103 : vector<8x1xf32>
    %sub3A_105 = vector.broadcast %div3A_97 : vector<8x1xf32> to vector<8x128xf32>
    %sub3A_106 = arith.subf %add3A_93, %sub3A_105 : vector<8x128xf32>
    %sqrt3A = math.sqrt %div3A_104 : vector<8x1xf32>
    %add3A_107 = arith.constant 1.000000e-03 : f32
    %add3A_108 = vector.broadcast %add3A_107 : f32 to vector<8x1xf32>
    %add3A_109 = arith.addf %sqrt3A, %add3A_108 : vector<8x1xf32>
    %div3A_110 = vector.broadcast %add3A_109 : vector<8x1xf32> to vector<8x128xf32>
    %div3A_111 = arith.divf %sub3A_106, %div3A_110 : vector<8x128xf32>
    %mul3A_112 = vector.broadcast %get3A_73 : vector<1x128xf32> to vector<8x128xf32>
    %mul3A_113 = arith.mulf %div3A_111, %mul3A_112 : vector<8x128xf32>
    %add3A_114 = vector.broadcast %get3A_76 : vector<1x128xf32> to vector<8x128xf32>
    %add3A_115 = arith.addf %mul3A_113, %add3A_114 : vector<8x128xf32>
    %slice3A = vector.extract_strided_slice %add3A_115 {offsets = [0, 0], sizes = [5, 128], strides = [1, 1]} : vector<8x128xf32> to vector<5x128xf32>
    %reduce_sum3A_116 = arith.constant dense<0.000000e+00> : vector<128xf32>
    %reduce_sum3A_117 = vector.multi_reduction <add>, %slice3A, %reduce_sum3A_116 [0] : vector<5x128xf32> to vector<128xf32>
    %broadcast_in_dim3A_118 = vector.shape_cast %reduce_sum3A_117 : vector<128xf32> to vector<1x128xf32>
    %div3A_119 = arith.constant 5.000000e+00 : f32
    %div3A_120 = vector.broadcast %div3A_119 : f32 to vector<1x128xf32>
    %div3A_121 = arith.divf %broadcast_in_dim3A_118, %div3A_120 : vector<1x128xf32>
    %dot_general3A_122 = arith.constant dense<0.000000e+00> : vector<1024x256xf32>
    %dot_general3A_123 = tpu.matmul %concatenate3A, %get3A_67, %dot_general3A_122 {dimension_numbers = #tpu.dot_dimension_numbers<[1], [1], [0], [0], [0, 0, 1, 0], [], []>, transpose_lhs_hint = false} : vector<1024x128xf32>, vector<256x128xf32>, vector<1024x256xf32> -> vector<1024x256xf32>
    %get3A_124 = arith.constant 0 : index
    %get3A_125 = arith.constant 0 : index
    %get3A_126 = vector.load %arg11[%get3A_124, %get3A_125] : memref<1x256xf32, #tpu.memory_space<vmem>>, vector<1x256xf32>
    %add3A_127 = vector.broadcast %get3A_126 : vector<1x256xf32> to vector<1024x256xf32>
    %add3A_128 = arith.addf %dot_general3A_123, %add3A_127 : vector<1024x256xf32>
    %max3A_129 = arith.constant 0.000000e+00 : f32
    %max3A_130 = vector.broadcast %max3A_129 : f32 to vector<1024x256xf32>
    %max3A_131 = arith.maximumf %add3A_128, %max3A_130 : vector<1024x256xf32>
    %dot_general3A_132 = arith.constant dense<0.000000e+00> : vector<1024x128xf32>
    %dot_general3A_133 = tpu.matmul %max3A_131, %get3A_70, %dot_general3A_132 {dimension_numbers = #tpu.dot_dimension_numbers<[1], [1], [0], [0], [0, 0, 1, 0], [], []>, transpose_lhs_hint = false} : vector<1024x256xf32>, vector<128x256xf32>, vector<1024x128xf32> -> vector<1024x128xf32>
    %get3A_134 = arith.constant 0 : index
    %get3A_135 = arith.constant 0 : index
    %get3A_136 = vector.load %arg13[%get3A_134, %get3A_135] : memref<1x128xf32, #tpu.memory_space<vmem>>, vector<1x128xf32>
    %add3A_137 = vector.broadcast %get3A_136 : vector<1x128xf32> to vector<1024x128xf32>
    %add3A_138 = arith.addf %dot_general3A_133, %add3A_137 : vector<1024x128xf32>
    %add3A_139 = arith.addf %add3A_138, %concatenate3A : vector<1024x128xf32>
    %reduce_sum3A_140 = arith.constant dense<0.000000e+00> : vector<1024xf32>
    %reduce_sum3A_141 = vector.multi_reduction <add>, %add3A_139, %reduce_sum3A_140 [1] : vector<1024x128xf32> to vector<1024xf32>
    %broadcast_in_dim3A_142 = vector.shape_cast %reduce_sum3A_141 : vector<1024xf32> to vector<1024x1xf32>
    %div3A_143 = arith.constant 1.280000e+02 : f32
    %div3A_144 = vector.broadcast %div3A_143 : f32 to vector<1024x1xf32>
    %div3A_145 = arith.divf %broadcast_in_dim3A_142, %div3A_144 : vector<1024x1xf32>
    %sub3A_146 = vector.broadcast %div3A_145 : vector<1024x1xf32> to vector<1024x128xf32>
    %sub3A_147 = arith.subf %add3A_139, %sub3A_146 : vector<1024x128xf32>
    %integer_pow3A_148 = arith.mulf %sub3A_147, %sub3A_147 : vector<1024x128xf32>
    %reduce_sum3A_149 = arith.constant dense<0.000000e+00> : vector<1024xf32>
    %reduce_sum3A_150 = vector.multi_reduction <add>, %integer_pow3A_148, %reduce_sum3A_149 [1] : vector<1024x128xf32> to vector<1024xf32>
    %broadcast_in_dim3A_151 = vector.shape_cast %reduce_sum3A_150 : vector<1024xf32> to vector<1024x1xf32>
    %div3A_152 = arith.constant 1.270000e+02 : f32
    %div3A_153 = vector.broadcast %div3A_152 : f32 to vector<1024x1xf32>
    %div3A_154 = arith.divf %broadcast_in_dim3A_151, %div3A_153 : vector<1024x1xf32>
    %sub3A_155 = vector.broadcast %div3A_145 : vector<1024x1xf32> to vector<1024x128xf32>
    %sub3A_156 = arith.subf %add3A_139, %sub3A_155 : vector<1024x128xf32>
    %sqrt3A_157 = math.sqrt %div3A_154 : vector<1024x1xf32>
    %add3A_158 = arith.constant 1.000000e-03 : f32
    %add3A_159 = vector.broadcast %add3A_158 : f32 to vector<1024x1xf32>
    %add3A_160 = arith.addf %sqrt3A_157, %add3A_159 : vector<1024x1xf32>
    %div3A_161 = vector.broadcast %add3A_160 : vector<1024x1xf32> to vector<1024x128xf32>
    %div3A_162 = arith.divf %sub3A_156, %div3A_161 : vector<1024x128xf32>
    %mul3A_163 = vector.broadcast %get3A_73 : vector<1x128xf32> to vector<1024x128xf32>
    %mul3A_164 = arith.mulf %div3A_162, %mul3A_163 : vector<1024x128xf32>
    %add3A_165 = vector.broadcast %get3A_76 : vector<1x128xf32> to vector<1024x128xf32>
    %add3A_166 = arith.addf %mul3A_164, %add3A_165 : vector<1024x128xf32>
    %get3A_167 = arith.constant 0 : index
    %get3A_168 = arith.constant 0 : index
    %get3A_169 = vector.load %arg16[%get3A_167, %get3A_168] : memref<1024x128xf32, #tpu.memory_space<vmem>>, vector<1024x128xf32>
    %get3A_170 = arith.constant 0 : index
    %get3A_171 = arith.constant 0 : index
    %get3A_172 = vector.load %arg17[%get3A_170, %get3A_171] : memref<1024x256xf32, #tpu.memory_space<vmem>>, vector<1024x256xf32>
    %dot_general3A_173 = arith.constant dense<0.000000e+00> : vector<1024x1024xf32>
    %dot_general3A_174 = tpu.matmul %add3A_166, %get3A_169, %dot_general3A_173 {dimension_numbers = #tpu.dot_dimension_numbers<[1], [1], [0], [0], [0, 0, 1, 0], [], []>, transpose_lhs_hint = false} : vector<1024x128xf32>, vector<1024x128xf32>, vector<1024x1024xf32> -> vector<1024x1024xf32>
    %get3A_175 = arith.constant 0 : index
    %get3A_176 = arith.constant 0 : index
    %get3A_177 = vector.load %arg18[%get3A_175, %get3A_176] : memref<1x1024xf32, #tpu.memory_space<vmem>>, vector<1x1024xf32>
    %add3A_178 = vector.broadcast %get3A_177 : vector<1x1024xf32> to vector<1024x1024xf32>
    %add3A_179 = arith.addf %dot_general3A_174, %add3A_178 : vector<1024x1024xf32>
    %broadcast_in_dim3A_180 = vector.shape_cast %div3A_121 : vector<1x128xf32> to vector<1x128xf32>
    %broadcast_in_dim3A_181 = vector.broadcast %broadcast_in_dim3A_180 : vector<1x128xf32> to vector<1024x128xf32>
    %broadcast_in_dim3A_182 = arith.constant 0.000000e+00 : f32
    %broadcast_in_dim3A_183 = vector.broadcast %broadcast_in_dim3A_182 : f32 to vector<1024x256xf32>
    %broadcast_in_dim3A_184 = arith.constant 0.000000e+00 : f32
    %broadcast_in_dim3A_185 = vector.broadcast %broadcast_in_dim3A_184 : f32 to vector<1024x256xf32>
    %dot_general3A_186 = arith.constant dense<0.000000e+00> : vector<1024x1024xf32>
    %dot_general3A_187 = tpu.matmul %broadcast_in_dim3A_185, %get3A_172, %dot_general3A_186 {dimension_numbers = #tpu.dot_dimension_numbers<[1], [1], [0], [0], [0, 0, 1, 0], [], []>, transpose_lhs_hint = false} : vector<1024x256xf32>, vector<1024x256xf32>, vector<1024x1024xf32> -> vector<1024x1024xf32>
    %add3A_188 = arith.addf %add3A_179, %dot_general3A_187 : vector<1024x1024xf32>
    %get3A_189 = arith.constant 0 : index
    %get3A_190 = arith.constant 0 : index
    %get3A_191 = vector.load %arg19[%get3A_189, %get3A_190] : memref<1x1024xf32, #tpu.memory_space<vmem>>, vector<1x1024xf32>
    %add3A_192 = vector.broadcast %get3A_191 : vector<1x1024xf32> to vector<1024x1024xf32>
    %add3A_193 = arith.addf %add3A_188, %add3A_192 : vector<1024x1024xf32>
    %slice3A_194 = vector.extract_strided_slice %add3A_193 {offsets = [0, 0], sizes = [1024, 256], strides = [1, 1]} : vector<1024x1024xf32> to vector<1024x256xf32>
    %logistic3A = arith.negf %slice3A_194 : vector<1024x256xf32>
    %logistic3A_195 = math.exp %logistic3A : vector<1024x256xf32>
    %logistic3A_196 = arith.constant 1.000000e+00 : f32
    %logistic3A_197 = vector.broadcast %logistic3A_196 : f32 to vector<1024x256xf32>
    %logistic3A_198 = arith.addf %logistic3A_197, %logistic3A_195 : vector<1024x256xf32>
    %logistic3A_199 = arith.divf %logistic3A_197, %logistic3A_198 : vector<1024x256xf32>
    %slice3A_200 = vector.extract_strided_slice %add3A_193 {offsets = [0, 256], sizes = [1024, 256], strides = [1, 1]} : vector<1024x1024xf32> to vector<1024x256xf32>
    %logistic3A_201 = arith.negf %slice3A_200 : vector<1024x256xf32>
    %logistic3A_202 = math.exp %logistic3A_201 : vector<1024x256xf32>
    %logistic3A_203 = arith.constant 1.000000e+00 : f32
    %logistic3A_204 = vector.broadcast %logistic3A_203 : f32 to vector<1024x256xf32>
    %logistic3A_205 = arith.addf %logistic3A_204, %logistic3A_202 : vector<1024x256xf32>
    %logistic3A_206 = arith.divf %logistic3A_204, %logistic3A_205 : vector<1024x256xf32>
    %slice3A_207 = vector.extract_strided_slice %add3A_193 {offsets = [0, 512], sizes = [1024, 256], strides = [1, 1]} : vector<1024x1024xf32> to vector<1024x256xf32>
    %tanh3A_208 = math.tanh %slice3A_207 : vector<1024x256xf32>
    %slice3A_209 = vector.extract_strided_slice %add3A_193 {offsets = [0, 768], sizes = [1024, 256], strides = [1, 1]} : vector<1024x1024xf32> to vector<1024x256xf32>
    %logistic3A_210 = arith.negf %slice3A_209 : vector<1024x256xf32>
    %logistic3A_211 = math.exp %logistic3A_210 : vector<1024x256xf32>
    %logistic3A_212 = arith.constant 1.000000e+00 : f32
    %logistic3A_213 = vector.broadcast %logistic3A_212 : f32 to vector<1024x256xf32>
    %logistic3A_214 = arith.addf %logistic3A_213, %logistic3A_211 : vector<1024x256xf32>
    %logistic3A_215 = arith.divf %logistic3A_213, %logistic3A_214 : vector<1024x256xf32>
    %mul3A_216 = arith.mulf %logistic3A_206, %broadcast_in_dim3A_183 : vector<1024x256xf32>
    %mul3A_217 = arith.mulf %logistic3A_199, %tanh3A_208 : vector<1024x256xf32>
    %add3A_218 = arith.addf %mul3A_216, %mul3A_217 : vector<1024x256xf32>
    %tanh3A_219 = math.tanh %add3A_218 : vector<1024x256xf32>
    %mul3A_220 = arith.mulf %logistic3A_215, %tanh3A_219 : vector<1024x256xf32>
    %slice3A_221 = vector.extract_strided_slice %mul3A_220 {offsets = [0, 0], sizes = [1024, 128], strides = [1, 1]} : vector<1024x256xf32> to vector<1024x128xf32>
    %add3A_222 = arith.addf %add3A_166, %slice3A_221 : vector<1024x128xf32>
    %concatenate3A_223 = tpu.concatenate %add3A_222, %broadcast_in_dim3A_181 in 1 : vector<1024x128xf32>, vector<1024x128xf32> -> vector<1024x256xf32>
    %dot_general3A_224 = arith.constant dense<0.000000e+00> : vector<1024x1024xf32>
    %dot_general3A_225 = tpu.matmul %concatenate3A_223, %get3A_172, %dot_general3A_224 {dimension_numbers = #tpu.dot_dimension_numbers<[1], [1], [0], [0], [0, 0, 1, 0], [], []>, transpose_lhs_hint = false} : vector<1024x256xf32>, vector<1024x256xf32>, vector<1024x1024xf32> -> vector<1024x1024xf32>
    %add3A_226 = arith.addf %add3A_179, %dot_general3A_225 : vector<1024x1024xf32>
    %get3A_227 = arith.constant 0 : index
    %get3A_228 = arith.constant 0 : index
    %get3A_229 = vector.load %arg19[%get3A_227, %get3A_228] : memref<1x1024xf32, #tpu.memory_space<vmem>>, vector<1x1024xf32>
    %add3A_230 = vector.broadcast %get3A_229 : vector<1x1024xf32> to vector<1024x1024xf32>
    %add3A_231 = arith.addf %add3A_226, %add3A_230 : vector<1024x1024xf32>
    %slice3A_232 = vector.extract_strided_slice %add3A_231 {offsets = [0, 0], sizes = [1024, 256], strides = [1, 1]} : vector<1024x1024xf32> to vector<1024x256xf32>
    %logistic3A_233 = arith.negf %slice3A_232 : vector<1024x256xf32>
    %logistic3A_234 = math.exp %logistic3A_233 : vector<1024x256xf32>
    %logistic3A_235 = arith.constant 1.000000e+00 : f32
    %logistic3A_236 = vector.broadcast %logistic3A_235 : f32 to vector<1024x256xf32>
    %logistic3A_237 = arith.addf %logistic3A_236, %logistic3A_234 : vector<1024x256xf32>
    %logistic3A_238 = arith.divf %logistic3A_236, %logistic3A_237 : vector<1024x256xf32>
    %slice3A_239 = vector.extract_strided_slice %add3A_231 {offsets = [0, 256], sizes = [1024, 256], strides = [1, 1]} : vector<1024x1024xf32> to vector<1024x256xf32>
    %logistic3A_240 = arith.negf %slice3A_239 : vector<1024x256xf32>
    %logistic3A_241 = math.exp %logistic3A_240 : vector<1024x256xf32>
    %logistic3A_242 = arith.constant 1.000000e+00 : f32
    %logistic3A_243 = vector.broadcast %logistic3A_242 : f32 to vector<1024x256xf32>
    %logistic3A_244 = arith.addf %logistic3A_243, %logistic3A_241 : vector<1024x256xf32>
    %logistic3A_245 = arith.divf %logistic3A_243, %logistic3A_244 : vector<1024x256xf32>
    %slice3A_246 = vector.extract_strided_slice %add3A_231 {offsets = [0, 512], sizes = [1024, 256], strides = [1, 1]} : vector<1024x1024xf32> to vector<1024x256xf32>
    %tanh3A_247 = math.tanh %slice3A_246 : vector<1024x256xf32>
    %slice3A_248 = vector.extract_strided_slice %add3A_231 {offsets = [0, 768], sizes = [1024, 256], strides = [1, 1]} : vector<1024x1024xf32> to vector<1024x256xf32>
    %logistic3A_249 = arith.negf %slice3A_248 : vector<1024x256xf32>
    %logistic3A_250 = math.exp %logistic3A_249 : vector<1024x256xf32>
    %logistic3A_251 = arith.constant 1.000000e+00 : f32
    %logistic3A_252 = vector.broadcast %logistic3A_251 : f32 to vector<1024x256xf32>
    %logistic3A_253 = arith.addf %logistic3A_252, %logistic3A_250 : vector<1024x256xf32>
    %logistic3A_254 = arith.divf %logistic3A_252, %logistic3A_253 : vector<1024x256xf32>
    %mul3A_255 = arith.mulf %logistic3A_245, %add3A_218 : vector<1024x256xf32>
    %mul3A_256 = arith.mulf %logistic3A_238, %tanh3A_247 : vector<1024x256xf32>
    %add3A_257 = arith.addf %mul3A_255, %mul3A_256 : vector<1024x256xf32>
    %tanh3A_258 = math.tanh %add3A_257 : vector<1024x256xf32>
    %mul3A_259 = arith.mulf %logistic3A_254, %tanh3A_258 : vector<1024x256xf32>
    %slice3A_260 = vector.extract_strided_slice %mul3A_259 {offsets = [0, 0], sizes = [1024, 128], strides = [1, 1]} : vector<1024x256xf32> to vector<1024x128xf32>
    %add3A_261 = arith.addf %add3A_166, %slice3A_260 : vector<1024x128xf32>
    %concatenate3A_262 = tpu.concatenate %add3A_261, %broadcast_in_dim3A_181 in 1 : vector<1024x128xf32>, vector<1024x128xf32> -> vector<1024x256xf32>
    %dot_general3A_263 = arith.constant dense<0.000000e+00> : vector<1024x1024xf32>
    %dot_general3A_264 = tpu.matmul %concatenate3A_262, %get3A_172, %dot_general3A_263 {dimension_numbers = #tpu.dot_dimension_numbers<[1], [1], [0], [0], [0, 0, 1, 0], [], []>, transpose_lhs_hint = false} : vector<1024x256xf32>, vector<1024x256xf32>, vector<1024x1024xf32> -> vector<1024x1024xf32>
    %add3A_265 = arith.addf %add3A_179, %dot_general3A_264 : vector<1024x1024xf32>
    %get3A_266 = arith.constant 0 : index
    %get3A_267 = arith.constant 0 : index
    %get3A_268 = vector.load %arg19[%get3A_266, %get3A_267] : memref<1x1024xf32, #tpu.memory_space<vmem>>, vector<1x1024xf32>
    %add3A_269 = vector.broadcast %get3A_268 : vector<1x1024xf32> to vector<1024x1024xf32>
    %add3A_270 = arith.addf %add3A_265, %add3A_269 : vector<1024x1024xf32>
    %slice3A_271 = vector.extract_strided_slice %add3A_270 {offsets = [0, 0], sizes = [1024, 256], strides = [1, 1]} : vector<1024x1024xf32> to vector<1024x256xf32>
    %logistic3A_272 = arith.negf %slice3A_271 : vector<1024x256xf32>
    %logistic3A_273 = math.exp %logistic3A_272 : vector<1024x256xf32>
    %logistic3A_274 = arith.constant 1.000000e+00 : f32
    %logistic3A_275 = vector.broadcast %logistic3A_274 : f32 to vector<1024x256xf32>
    %logistic3A_276 = arith.addf %logistic3A_275, %logistic3A_273 : vector<1024x256xf32>
    %logistic3A_277 = arith.divf %logistic3A_275, %logistic3A_276 : vector<1024x256xf32>
    %slice3A_278 = vector.extract_strided_slice %add3A_270 {offsets = [0, 256], sizes = [1024, 256], strides = [1, 1]} : vector<1024x1024xf32> to vector<1024x256xf32>
    %logistic3A_279 = arith.negf %slice3A_278 : vector<1024x256xf32>
    %logistic3A_280 = math.exp %logistic3A_279 : vector<1024x256xf32>
    %logistic3A_281 = arith.constant 1.000000e+00 : f32
    %logistic3A_282 = vector.broadcast %logistic3A_281 : f32 to vector<1024x256xf32>
    %logistic3A_283 = arith.addf %logistic3A_282, %logistic3A_280 : vector<1024x256xf32>
    %logistic3A_284 = arith.divf %logistic3A_282, %logistic3A_283 : vector<1024x256xf32>
    %slice3A_285 = vector.extract_strided_slice %add3A_270 {offsets = [0, 512], sizes = [1024, 256], strides = [1, 1]} : vector<1024x1024xf32> to vector<1024x256xf32>
    %tanh3A_286 = math.tanh %slice3A_285 : vector<1024x256xf32>
    %slice3A_287 = vector.extract_strided_slice %add3A_270 {offsets = [0, 768], sizes = [1024, 256], strides = [1, 1]} : vector<1024x1024xf32> to vector<1024x256xf32>
    %logistic3A_288 = arith.negf %slice3A_287 : vector<1024x256xf32>
    %logistic3A_289 = math.exp %logistic3A_288 : vector<1024x256xf32>
    %logistic3A_290 = arith.constant 1.000000e+00 : f32
    %logistic3A_291 = vector.broadcast %logistic3A_290 : f32 to vector<1024x256xf32>
    %logistic3A_292 = arith.addf %logistic3A_291, %logistic3A_289 : vector<1024x256xf32>
    %logistic3A_293 = arith.divf %logistic3A_291, %logistic3A_292 : vector<1024x256xf32>
    %mul3A_294 = arith.mulf %logistic3A_284, %add3A_257 : vector<1024x256xf32>
    %mul3A_295 = arith.mulf %logistic3A_277, %tanh3A_286 : vector<1024x256xf32>
    %add3A_296 = arith.addf %mul3A_294, %mul3A_295 : vector<1024x256xf32>
    %tanh3A_297 = math.tanh %add3A_296 : vector<1024x256xf32>
    %mul3A_298 = arith.mulf %logistic3A_293, %tanh3A_297 : vector<1024x256xf32>
    %slice3A_299 = vector.extract_strided_slice %mul3A_298 {offsets = [0, 0], sizes = [1024, 128], strides = [1, 1]} : vector<1024x256xf32> to vector<1024x128xf32>
    %add3A_300 = arith.addf %add3A_166, %slice3A_299 : vector<1024x128xf32>
    %concatenate3A_301 = tpu.concatenate %add3A_300, %broadcast_in_dim3A_181 in 1 : vector<1024x128xf32>, vector<1024x128xf32> -> vector<1024x256xf32>
    %dot_general3A_302 = arith.constant dense<0.000000e+00> : vector<1024x1024xf32>
    %dot_general3A_303 = tpu.matmul %concatenate3A_301, %get3A_172, %dot_general3A_302 {dimension_numbers = #tpu.dot_dimension_numbers<[1], [1], [0], [0], [0, 0, 1, 0], [], []>, transpose_lhs_hint = false} : vector<1024x256xf32>, vector<1024x256xf32>, vector<1024x1024xf32> -> vector<1024x1024xf32>
    %add3A_304 = arith.addf %add3A_179, %dot_general3A_303 : vector<1024x1024xf32>
    %get3A_305 = arith.constant 0 : index
    %get3A_306 = arith.constant 0 : index
    %get3A_307 = vector.load %arg19[%get3A_305, %get3A_306] : memref<1x1024xf32, #tpu.memory_space<vmem>>, vector<1x1024xf32>
    %add3A_308 = vector.broadcast %get3A_307 : vector<1x1024xf32> to vector<1024x1024xf32>
    %add3A_309 = arith.addf %add3A_304, %add3A_308 : vector<1024x1024xf32>
    %slice3A_310 = vector.extract_strided_slice %add3A_309 {offsets = [0, 0], sizes = [1024, 256], strides = [1, 1]} : vector<1024x1024xf32> to vector<1024x256xf32>
    %logistic3A_311 = arith.negf %slice3A_310 : vector<1024x256xf32>
    %logistic3A_312 = math.exp %logistic3A_311 : vector<1024x256xf32>
    %logistic3A_313 = arith.constant 1.000000e+00 : f32
    %logistic3A_314 = vector.broadcast %logistic3A_313 : f32 to vector<1024x256xf32>
    %logistic3A_315 = arith.addf %logistic3A_314, %logistic3A_312 : vector<1024x256xf32>
    %logistic3A_316 = arith.divf %logistic3A_314, %logistic3A_315 : vector<1024x256xf32>
    %slice3A_317 = vector.extract_strided_slice %add3A_309 {offsets = [0, 256], sizes = [1024, 256], strides = [1, 1]} : vector<1024x1024xf32> to vector<1024x256xf32>
    %logistic3A_318 = arith.negf %slice3A_317 : vector<1024x256xf32>
    %logistic3A_319 = math.exp %logistic3A_318 : vector<1024x256xf32>
    %logistic3A_320 = arith.constant 1.000000e+00 : f32
    %logistic3A_321 = vector.broadcast %logistic3A_320 : f32 to vector<1024x256xf32>
    %logistic3A_322 = arith.addf %logistic3A_321, %logistic3A_319 : vector<1024x256xf32>
    %logistic3A_323 = arith.divf %logistic3A_321, %logistic3A_322 : vector<1024x256xf32>
    %slice3A_324 = vector.extract_strided_slice %add3A_309 {offsets = [0, 512], sizes = [1024, 256], strides = [1, 1]} : vector<1024x1024xf32> to vector<1024x256xf32>
    %tanh3A_325 = math.tanh %slice3A_324 : vector<1024x256xf32>
    %slice3A_326 = vector.extract_strided_slice %add3A_309 {offsets = [0, 768], sizes = [1024, 256], strides = [1, 1]} : vector<1024x1024xf32> to vector<1024x256xf32>
    %logistic3A_327 = arith.negf %slice3A_326 : vector<1024x256xf32>
    %logistic3A_328 = math.exp %logistic3A_327 : vector<1024x256xf32>
    %logistic3A_329 = arith.constant 1.000000e+00 : f32
    %logistic3A_330 = vector.broadcast %logistic3A_329 : f32 to vector<1024x256xf32>
    %logistic3A_331 = arith.addf %logistic3A_330, %logistic3A_328 : vector<1024x256xf32>
    %logistic3A_332 = arith.divf %logistic3A_330, %logistic3A_331 : vector<1024x256xf32>
    %mul3A_333 = arith.mulf %logistic3A_323, %add3A_296 : vector<1024x256xf32>
    %mul3A_334 = arith.mulf %logistic3A_316, %tanh3A_325 : vector<1024x256xf32>
    %add3A_335 = arith.addf %mul3A_333, %mul3A_334 : vector<1024x256xf32>
    %tanh3A_336 = math.tanh %add3A_335 : vector<1024x256xf32>
    %mul3A_337 = arith.mulf %logistic3A_332, %tanh3A_336 : vector<1024x256xf32>
    %slice3A_338 = vector.extract_strided_slice %mul3A_337 {offsets = [0, 0], sizes = [1024, 128], strides = [1, 1]} : vector<1024x256xf32> to vector<1024x128xf32>
    %add3A_339 = arith.addf %add3A_166, %slice3A_338 : vector<1024x128xf32>
    %mul3A_340 = vector.broadcast %div3A_121 : vector<1x128xf32> to vector<1024x128xf32>
    %mul3A_341 = arith.mulf %add3A_339, %mul3A_340 : vector<1024x128xf32>
    %reduce_sum3A_342 = arith.constant dense<0.000000e+00> : vector<1024xf32>
    %reduce_sum3A_343 = vector.multi_reduction <add>, %mul3A_341, %reduce_sum3A_342 [1] : vector<1024x128xf32> to vector<1024xf32>
    %broadcast_in_dim3A_344 = vector.shape_cast %reduce_sum3A_343 : vector<1024xf32> to vector<1024x1xf32>
    %swap3A = arith.constant 0 : index
    %swap3A_345 = arith.constant 0 : index
    %swap3A_346 = vector.load %arg21[%swap3A, %swap3A_345] : memref<1024x1xf32, #tpu.memory_space<vmem>>, vector<1024x1xf32>
    tpu.vector_store %arg21[%swap3A, %swap3A_345], %broadcast_in_dim3A_344 {strides = array<i32>} : memref<1024x1xf32, #tpu.memory_space<vmem>>, vector<1024x1xf32>,
    return
  }
}

</mosaic_0001>

<sc_bundles>
// kernel: kernel.4.cloned.1.call-start
scs
__scs_entry_jumppad:
0x0: {  	(pc) =	sbr.rel $0x88, $3  }
0x1: {  	(tag) =	ssettag $0x0;
	lr =	simm.s32 $0x1  }
0x2: {  	[smem:$0x3F8C] =	sst lr;
	_ =	strace $0xD0000000  }
0x3: {  	_ = 	snop  }
0x4: {  	_ = 	snop  }
0x5: {  	_ = 	snop  }
0x6: {  	_ = 	snop  }
0x7: {  	_ = 	snop  }
__scs_overlays_trampoline_lowered:
0x8: {  	[smem:$0x3F9B] =	sst s0  }
0x9: {  	[smem:$0x3F9C] =	sst s1  }
0xa: {  	[smem:$0x3F9D] =	sst s2  }
0xb: {  	[smem:$0x3F9E] =	sst s3  }
0xc: {  	[smem:$0x3F9F] =	sst s4  }
0xd: {  	[smem:$0x3FA0] =	sst s5  }
0xe: {  	[smem:$0x3FA1] =	sst s6  }
0xf: {  	[smem:$0x3FA2] =	sst s7  }
0x10: {  	[smem:$0x3FA3] =	sst s8  }
0x11: {  	[smem:$0x3FA4] =	sst s9;
	s0 =	simm.s32 @!p0 $0x0  }
0x12: {  	s1 =	sld [smem:$0x3F8A];
	s0 =	simm.s32 @p0 $0x1  }
0x13: {  	[smem:$0x3FA5] =	sst s0;
	s0 =	simm.s32 @!p1 $0x0  }
0x14: {  	s2 =	sld [smem:$0x3F89];
	s0 =	simm.s32 @p1 $0x1  }
0x15: {  	[smem:$0x3FA6] =	sst s0;
	s0 =	simm.s32 @!p2 $0x0  }
0x16: {  	s3 =	sld [smem:$0x3FDB];
	s0 =	simm.s32 @p2 $0x1  }
0x17: {  	s4 =	simm.s32 $0x1BF5;
	[smem:$0x3FA8] =	sst s0  }
0x18: {  	s0 =	sld [smem:$0x3F8B];
	_ =	swait.ge [sflag:s4], $0x0  }
0x19: {  	s7 =	sld [smem:$0x3F8C]  }
0x1a: {  	s8 =	sadd.s32 $0xFFFFE003, lr  }
0x1b: {  	s9 =	sadd.s32 $0xFFFFFEF7, lr;
	s5 =	simm.s32 $0xFFFFFFFF;
	p2 =	slt.u32 s8, $0xFFFFF086  }
0x1c: {  	p1 =	slt.u32 s9, $0xF7A;
	s5 =	simm.s32 @!p2 $0x0  }
0x1d: {  	s5 =	simm.s32 @p1 $0x1;
	p0 =	seq.s32 s7, s2  }
0x1e: {  	s7 =	smul.u32 @!p0 $0xF7A, s2;
	p2 =	seq.s32 @!p0 s5, $0x0  }
0x1f: {  	s9 =	smul.u32 $0xF7A, s1;
	s8 =	simm.s32 @!p0 $0x1BF5;
	p2 =	por !p2, p0  }
0x20: {  	[sflag:s8] =	ssyncset.s32 @!p0 $0xFFFFF086;
	s6 =	sadd.s32 @!p0 s3, s7;
	s7 =	simm.s32 @!p0 $0x108  }
0x21: {  	s3 =	sadd.s32 s3, s9;
	s6 =	sadd.s32 @!p0 $0x88, s6;
	s7 =	simm.s32 @p2 $0x1082  }
0x22: {  	[simem:s7], [sflag:s8] =	dma.local @!p0 [hbm:s6], $0xF7A  }
0x23: {  	s9 =	sor.u32 $0xD0000000, s2;
	s6 =	simm.s32 $0x108;
	_ =	swait.ge @!p0 [sflag:s8], $0x0  }
0x24: {  	s3 =	sadd.s32 $0x88, s3;
	s6 =	simm.s32 @!p1 $0x1082;
	[sflag:s4] =	ssyncset.s32 $0xFFFFF086  }
0x25: {  	[simem:s6], [sflag:s4] =	dma.local [hbm:s3], $0xF7A  }
0x26: {  	[smem:$0x3F8C] =	sst s1;
	(tag) =	ssettag s2;
	_ =	strace s9  }
0x27: {  	s1 =	sld [smem:$0x3F9C]  }
0x28: {  	s2 =	sld [smem:$0x3F9D]  }
0x29: {  	s4 =	sld [smem:$0x3F9F]  }
0x2a: {  	p0 =	seq.s32 s5, $0x0;
	s5 =	sld [smem:$0x3FA0]  }
0x2b: {  	s6 =	sld [smem:$0x3FA1]  }
0x2c: {  	s7 =	sld [smem:$0x3FA2]  }
0x2d: {  	s3 =	simm.s32 $0x108;
	s8 =	sld [smem:$0x3FA3]  }
0x2e: {  	s3 =	simm.s32 @!p0 $0x1082;
	s9 =	sld [smem:$0x3FA4]  }
0x2f: {  	lr =	sadd.s32 s0, s3;
	s0 =	sld [smem:$0x3F9B]  }
0x30: {  	s3 =	sld [smem:$0x3F9E]  }
0x31: {  	[smem:$0x3FA7] =	sst s10  }
0x32: {  	s10 =	sld [smem:$0x3FA5];
	_ =	sdelay $0x3  }
0x33: {  	p0 =	seq.s32 s10, $0x1;
	s10 =	sld [smem:$0x3FA7];
	_ =	sdelay $0x3  }
0x34: {  	[smem:$0x3FA7] =	sst s10  }
0x35: {  	s10 =	sld [smem:$0x3FA6];
	_ =	sdelay $0x3  }
0x36: {  	p1 =	seq.s32 s10, $0x1;
	s10 =	sld [smem:$0x3FA7];
	_ =	sdelay $0x3  }
0x37: {  	[smem:$0x3FA7] =	sst s10  }
0x38: {  	s10 =	sld [smem:$0x3FA8]  }
0x39: {  	_ = 	snop;
	(pc) =	sbr.ind lr, $3  }
0x3a: {  	_ = 	snop  }
0x3b: {  	_ = 	snop  }
0x3c: {  	p2 =	seq.s32 s10, $0x1;
	s10 =	sld [smem:$0x3FA7]  }
0x3d: {  	_ =	shalt  }
0x3e: {  	_ =	shalt  }
0x3f: {  	_ =	shalt  }
0x40: {  	_ =	shalt  }
0x41: {  	_ =	shalt  }
0x42: {  	_ =	shalt  }
0x43: {  	_ =	shalt  }
0x44: {  	_ =	shalt  }
0x45: {  	_ =	shalt  }
0x46: {  	_ =	shalt  }
0x47: {  	_ =	shalt  }
0x48: {  	_ =	shalt  }
0x49: {  	_ =	shalt  }
0x4a: {  	_ =	shalt  }
0x4b: {  	_ =	shalt  }
0x4c: {  	_ =	shalt  }
0x4d: {  	_ =	shalt  }
0x4e: {  	_ =	shalt  }
0x4f: {  	_ =	shalt  }
0x50: {  	_ =	shalt  }
0x51: {  	_ =	shalt  }
0x52: {  	_ =	shalt  }
0x53: {  	_ =	shalt  }
0x54: {  	_ =	shalt  }
0x55: {  	_ =	shalt  }
0x56: {  	_ =	shalt  }
0x57: {  	_ =	shalt  }
0x58: {  	_ =	shalt  }
0x59: {  	_ =	shalt  }
0x5a: {  	_ =	shalt  }
0x5b: {  	_ =	shalt  }
0x5c: {  	_ =	shalt  }
0x5d: {  	_ =	shalt  }
0x5e: {  	_ =	shalt  }
0x5f: {  	_ =	shalt  }
0x60: {  	_ =	shalt  }
0x61: {  	_ =	shalt  }
0x62: {  	_ =	shalt  }
0x63: {  	_ =	shalt  }
0x64: {  	_ =	shalt  }
0x65: {  	_ =	shalt  }
0x66: {  	_ =	shalt  }
0x67: {  	_ =	shalt  }
0x68: {  	_ =	shalt  }
0x69: {  	_ =	shalt  }
0x6a: {  	_ =	shalt  }
0x6b: {  	_ =	shalt  }
0x6c: {  	_ =	shalt  }
0x6d: {  	_ =	shalt  }
0x6e: {  	_ =	shalt  }
0x6f: {  	_ =	shalt  }
0x70: {  	_ =	shalt  }
0x71: {  	_ =	shalt  }
0x72: {  	_ =	shalt  }
0x73: {  	_ =	shalt  }
0x74: {  	_ =	shalt  }
0x75: {  	_ =	shalt  }
0x76: {  	_ =	shalt  }
0x77: {  	_ =	shalt  }
0x78: {  	_ =	shalt  }
0x79: {  	_ =	shalt  }
0x7a: {  	_ =	shalt  }
0x7b: {  	_ =	shalt  }
0x7c: {  	_ =	shalt  }
0x7d: {  	_ =	shalt  }
0x7e: {  	_ =	shalt  }
0x7f: {  	_ =	shalt  }
0x80: {  	_ =	shalt  }
0x81: {  	_ =	shalt  }
0x82: {  	_ =	shalt  }
0x83: {  	_ =	shalt  }
0x84: {  	_ =	shalt  }
0x85: {  	_ =	shalt  }
0x86: {  	_ =	shalt  }
0x87: {  	_ =	shalt  }
.Lfunc_end0:
.L_simem_size_0:
called_computation_lowered:
.L_overlay_start_0:
0x88: {  	s2 =	sld [smem:$0x3FD9]  }
0x89: {  	s3 =	sld [smem:$0x3FFE];
	_ =	sdelay $0x1  }
0x8a: {  	s1 =	srdreg.scid  }
0x8b: {  	s0 =	sand.u32 $0x1, s1  }
0x8c: {  	s16 =	sshll.u32 s0, $0xA;
	s2 =	sadd.s32 s3, s2  }
0x8d: {  	s2 =	sadd.s32 s2, s16  }
0x8e: {  	[smem:$0x3FB3] =	sst s2  }
0x8f: {  	_ = 	snop  }
0x90: {  	(tm) =	ssettm $0x1  }
0x91: {  	s17 =	sld [smem:$0x3FFB];
	_ =	sdelay $0x3  }
0x92: {  	_ =	strace s17  }
0x93: {  	s2 =	sld [smem:$0x3FFC];
	_ =	sdelay $0x3  }
0x94: {  	_ =	strace s2  }
0x95: {  	s2 =	sld [smem:$0x3FFD];
	_ =	sdelay $0x3  }
0x96: {  	_ =	strace s2  }
0x97: {  	_ =	strace $0x8FFFFFFF  }
0x98: {  	s18 =	sld [smem:$0x3FDB];
	_ =	sdelay $0x1  }
0x99: {  	s19 =	simm.s32 $_scs_section_size  }
0x9a: {  	s4 =	simm.s32 $_size__tile_overlayer_lowered;
	s5 =	simm.s32 $_tile_overlayer_lowered  }
0x9b: {  	s22 =	simm.s32 $0x1BFF;
	s21 =	sshll.u32 s5, $0x1;
	s2 =	sadd.s32 s19, s18  }
0x9c: {  	s6 =	simm.s32 $0x0;
	s20 =	sshll.u32 s4, $0x1;
	s4 =	sadd.s32 s21, s2  }
0x9d: {  	[timem:s6], [sflag:s22] =	dma.local [hbm:s4], s20  }
0x9e: {  	_ =	swait.ge [sflag:s22], s20  }
0x9f: {  	s3 =	ssub.s32 $0x0, s20;
	[sflag:s22] =	ssyncset.done $0x0  }
0xa0: {  	[sflag:s22] =	ssyncadd.s32 s3;
	_ =	sdelay $0x1  }
0xa1: {  	s23 =	simm.s32 $0x1B8B  }
0xa2: {  	_ =	swait.ge [sflag:s23], $0x1  }
0xa3: {  	[sflag:s23] =	ssyncset.done $0x0  }
0xa4: {  	s25 =	simm.s32 $0x1B8E;
	s24 =	sld [smem:$0x3FFE];
	[sflag:s23] =	ssyncadd.s32 $0xFFFFFFFF  }
0xa5: {  	s26 =	simm.s32 $execute0_lowered;
	[smem:$0x3FD2] =	sst s25  }
0xa6: {  	s4 =	sshll.u32 s26, $0x1;
	_ =	strace $0x80000046;
	[dreg:$0x1] =	wrdreg $0xFFFFFFFF  }
0xa7: {  	s28 =	simm.s32 $_size_execute0_lowered;
	s2 =	sadd.s32 s2, s4;
	[dreg:$0x0] =	wrdreg $0x0  }
0xa8: {  	s4 =	sshll.u32 s28, $0x1;
	[dreg:$0x2] =	wrdreg s2  }
0xa9: {  	[dreg:$0x3] =	wrdreg s4  }
0xaa: {  	[dreg:$0x4] =	wrdreg $0xC0  }
0xab: {  	_ =	task [dreg:s6], $0x5FFFF  }
0xac: {  	[dreg:$0x1] =	wrdreg $0xFFFFFFFF  }
0xad: {  	[dreg:$0x0] =	wrdreg $0x60  }
0xae: {  	[dreg:$0x2] =	wrdreg s24  }
0xaf: {  	[dreg:$0x3] =	wrdreg $0x9  }
0xb0: {  	_ =	task.clear_ibuf [dreg:s6], $0x4FFFF;
	_ =	strace $0x90000046  }
0xb1: {  	s29 =	simm.s32 $0x9;
	_ =	strace $0x80000048  }
0xb2: {  	_ =	swait.ge [sflag:s29], $0x1  }
0xb3: {  	[sflag:s29] =	ssyncadd.s32 $0xFFFFFFFF  }
0xb4: {  	_ =	strace $0x90000048  }
0xb5: {  	_ =	sfence  }
0xb6: {  	s30 =	sld [smem:$0x0];
	_ =	sdelay $0x2  }
0xb7: {  	s31 =	sshll.u32 s1, $0xD;
	s1 =	sshrl.u32 s1, $0x2  }
0xb8: {  	s3 =	sand.u32 $0x4000, s31;
	s1 =	sadd.s32 s1, s30  }
0xb9: {  	s0 =	sor.u32 s3, s0;
	s1 =	sshll.u32 s1, $0x11  }
0xba: {  	s0 =	sor.u32 s1, s0  }
0xbb: {  	s0 =	sadd.s32 $0x8F2B, s0  }
0xbc: {  	[sflag:s0] =	ssyncadd.remote.s32 $0x1  }
0xbd: {  	_ =	sfence.sel $0xFFFF  }
0xbe: {  	[dreg:$0x0] =	wrdreg $0xFFFFFFFF;
	(pc) =	sbr.abs _section_cstart, $3  }
0xbf: {  	[dreg:$0x1] =	wrdreg $0xFFFFFFFF  }
0xc0: {  	_ =	task.clear_ibuf [dreg:s6], $0x2FFFF;
	_ =	strace $0x9FFFFFFF  }
0xc1: {  	(tm) =	ssettm $0x7FFFFFFF  }
tec
execute0_lowered:
.L_overlay_start_1:
0x0: {  	(tag) =	ssettag $0x1  }
0x1: {  	s1 =	srdreg.scid;
	s0 =	stileid.u32  }
0x2: {  	s5 =	rddreg [dreg:$0x0];
	s2 =	simm.s32 $0x0;
	s8 =	simm.s32 $0x64  }
0x3: {  	s9 =	simm.s32 $0x80;
	s10 =	simm.s32 $0xB800;
	s11 =	simm.s32 $0x100  }
0x4: {  	s12 =	simm.s32 $0xEC00;
	s13 =	simm.s32 $0x180;
	s14 =	simm.s32 $0x12000  }
0x5: {  	s15 =	simm.s32 $0x200;
	s16 =	simm.s32 $0x15400;
	s17 =	simm.s32 $0x280  }
0x6: {  	s18 =	simm.s32 $0x18800;
	s4 =	sand.u32 $0x1, s1;
	s30 =	sshll.u32 s0, $0x1  }
0x7: {  	s19 =	simm.s32 $0x1BC00;
	s1 =	rddreg [dreg:$0x1];
	s3 =	sor.u32 s4, s30  }
0x8: {  	s20 =	simm.s32 $0x0;
	[smem:$0x7FF] =	sst s2;
	s6 =	smul.u32 $0x1080, s3  }
0x9: {  	_ =	strace $0x80000047;
	s4 =	ssub.s32 $0x2, s4;
	s7 =	smul.u32 $0x480, s3  }
0xa: {  	s3 =	sadd.s32 $0xF66400, s5;
	s31 =	sshrl.u32 s4, $0x1;
	s6 =	sadd.s32 s6, s5  }
0xb: {  	s5 =	sadd.s32 s7, s5;
	s7 =	ssub.s32 s4, s31;
	s4 =	sadd.s32 $0xF45400, s6  }
0xc: {  	s5 =	sadd.s32 $0x2E00, s5;
	s6 =	smax.u32 s7, $0x1;
	s7 =	simm.s32 $0x7  }
.LBB2_1:
0xd: {  	[tilespmem:s2], [sflag:$0x7] =	stream.linear.gather [hbm4b:s4+s2], $0x8200, $0x38;
	[tilespmem:$0x1E000] =	vst v63  }
0xe: {  	_ =	swait.ge [sflag:s7], $0x8200  }
0xf: {  	[sflag:s7] =	ssyncset.done $0x0  }
0x10: {  	s21 =	simm.s32 $0x8400;
	[sflag:s7] =	ssyncadd.s32 $0xFFFF7E00  }
0x11: {  	[tilespmem:s21], [sflag:$0x1] =	stream.indirect.gather [hbm4b:s3+s8], $0x80, s2, s8, $0xb8;
	[tilespmem:$0x1E000] =	vst v63  }
0x12: {  	_ = 	snop  }
0x13: {  	[tilespmem:s10], [sflag:$0x2] =	stream.indirect.gather [hbm4b:s3+s8], $0x80, s9, s8, $0xb8;
	[tilespmem:$0x1E000] =	vst v63  }
0x14: {  	_ = 	snop  }
0x15: {  	[tilespmem:s12], [sflag:$0x3] =	stream.indirect.gather [hbm4b:s3+s8], $0x80, s11, s8, $0xb8;
	[tilespmem:$0x1E000] =	vst v63  }
0x16: {  	_ = 	snop  }
0x17: {  	[tilespmem:s14], [sflag:$0x4] =	stream.indirect.gather [hbm4b:s3+s8], $0x80, s13, s8, $0xb8;
	[tilespmem:$0x1E000] =	vst v63  }
0x18: {  	_ = 	snop  }
0x19: {  	v7 =	vimm.f32 $0.0e+00;
	v0 =	vimm.f32 $0.0e+00;
	[tilespmem:s16], [sflag:$0x5] =	stream.indirect.gather [hbm4b:s3+s8], $0x80, s15, s8, $0xb8;
	[tilespmem:$0x1E000] =	vst v63  }
0x1a: {  	v1 =	vimm.f32 $0.0e+00;
	v2 =	vimm.f32 $0.0e+00;
	v3 =	vimm.f32 $0.0e+00;
	s22 =	simm.s32 $0x0  }
0x1b: {  	v4 =	vimm.f32 $0.0e+00;
	v5 =	vimm.f32 $0.0e+00;
	v11 =	vimm.f32 $0.0e+00;
	[tilespmem:s18], [sflag:$0x6] =	stream.indirect.gather [hbm4b:s3+s8], $0x80, s17, s8, $0xb8;
	[tilespmem:$0x1E000] =	vst v63  }
.LBB2_2:
0x1c: {  	s23 =	smulhi.u32 $0xAAAAAAAB, s22  }
0x1d: {  	s24 =	smul.u32 $0xAAAB, s22  }
0x1e: {  	s23 =	sshrl.u32 s23, $0x2  }
0x1f: {  	s24 =	sshrl.u32 s24, $0x12;
	s23 =	smul.u32 $0xFFFB2000, s23  }
0x20: {  	s24 =	smul.u32 $0x6, s24  }
0x21: {  	s23 =	sshra.s32 s23, $0x2  }
0x22: {  	s24 =	ssub.s32 s22, s24;
	s23 =	sadd.s32 s23, s21  }
0x23: {  	s24 =	sand.u32 $0xFFFF, s24;
	v6 =	vmov s23  }
0x24: {  	s23 =	sadd.s32 $0x1, s24  }
0x25: {  	_ =	swait.ge [sflag:s23], $0x3200  }
0x26: {  	[sflag:s23] =	ssyncset.done $0x0  }
0x27: {  	s28 =	simm.s32 $0x0;
	[sflag:s23] =	ssyncadd.s32 $0xFFFFCE00  }
0x28: {  	v14 =	vld.idx.msk [tilespmem:v6+s28+$0xB0 ss:$0x1], $0xffff  }
0x29: {  	v15 =	vld.idx.msk [tilespmem:v6+s28+$0x0 ss:$0x1], $0xffff  }
0x2a: {  	v13 =	vld.idx.msk [tilespmem:v6+s28+$0x10 ss:$0x1], $0xffff  }
0x2b: {  	v12 =	vld.idx.msk [tilespmem:v6+s28+$0x20 ss:$0x1], $0xffff  }
0x2c: {  	s24 =	smul.u32 $0xD000, s24;
	v10 =	vld.idx.msk [tilespmem:v6+s28+$0x30 ss:$0x1], $0xffff  }
0x2d: {  	v9 =	vld.idx.msk [tilespmem:v6+s28+$0x80 ss:$0x1], $0xffff  }
0x2e: {  	s24 =	sshrl.u32 s24, $0x2;
	v8 =	vld.idx.msk [tilespmem:v6+s28+$0x90 ss:$0x1], $0xffff  }
0x2f: {  	s25 =	simm.s32 $0x100;
	s26 =	simm.s32 $0x800;
	s24 =	sadd.s32 $0x8400, s24;
	v7 =	vadd.f32 v14, v7;
	v14 =	vadd.f32 v15, v11;
	v11 =	vld.idx.msk [tilespmem:v6+s28+$0xA0 ss:$0x1], $0xffff  }
.LBB2_3:
0x30: {  	p0 =	sne.s32 s26, $0xC400;
	v15 =	vld.idx.msk [tilespmem:v6+s25+$0xB0 ss:$0x1], $0xffff;
	v5 =	vadd.f32 v13, v5  }
0x31: {  	v4 =	vadd.f32 v12, v4;
	v16 =	vld.idx.msk [tilespmem:v6+s25+$0x0 ss:$0x1], $0xffff  }
0x32: {  	v3 =	vadd.f32 v10, v3;
	v13 =	vld.idx.msk [tilespmem:v6+s25+$0x10 ss:$0x1], $0xffff  }
.Ltmp0:
0x33: {  	v2 =	vadd.f32 v9, v2;
	v12 =	vld.idx.msk [tilespmem:v6+s25+$0x20 ss:$0x1], $0xffff;
	(pc) =	sbr.rel @p0 .LBB2_3-.Ltmp0, $4  }
0x34: {  	v1 =	vadd.f32 v8, v1;
	v10 =	vld.idx.msk [tilespmem:v6+s25+$0x30 ss:$0x1], $0xffff  }
0x35: {  	v0 =	vadd.f32 v11, v0;
	v9 =	vld.idx.msk [tilespmem:v6+s25+$0x80 ss:$0x1], $0xffff  }
0x36: {  	v7 =	vadd.f32 v15, v7;
	v8 =	vld.idx.msk [tilespmem:v6+s25+$0x90 ss:$0x1], $0xffff  }
0x37: {  	v14 =	vadd.f32 v16, v14;
	v11 =	vld.idx.msk [tilespmem:v6+s25+$0xA0 ss:$0x1], $0xffff;
	s25 =	sshra.s32 s26, $0x2;
	s26 =	sadd.s32 $0x400, s26  }
0x38: {  	_ =	sdelay $0x3  }
0x39: {  	v15 =	vld.idx.msk [tilespmem:v6+s25+$0xB0 ss:$0x1], $0xffff  }
0x3a: {  	v16 =	vld.idx.msk [tilespmem:v6+s25+$0x0 ss:$0x1], $0xffff  }
0x3b: {  	v17 =	vld.idx.msk [tilespmem:v6+s25+$0x10 ss:$0x1], $0xffff  }
0x3c: {  	v18 =	vld.idx.msk [tilespmem:v6+s25+$0x20 ss:$0x1], $0xffff  }
0x3d: {  	v19 =	vld.idx.msk [tilespmem:v6+s25+$0x30 ss:$0x1], $0xffff;
	s26 =	sand.u32 $0x3, s22  }
0x3e: {  	v5 =	vadd.f32 v13, v5;
	v62 =	vld.idx.msk [tilespmem:v6+s25+$0x80 ss:$0x1], $0xffff;
	p0 =	sne.s32 s26, $0x3  }
0x3f: {  	v4 =	vadd.f32 v12, v4;
	v63 =	vld.idx.msk [tilespmem:v6+s25+$0x90 ss:$0x1], $0xffff;
	s28 =	sshll.u32 @!p0 s22, $0x5;
	v12 =	vadd.f32 v16, v14  }
0x40: {  	v6 =	vld.idx.msk [tilespmem:v6+s25+$0xA0 ss:$0x1], $0xffff;
	v3 =	vadd.f32 v10, v3;
	s25 =	sand.u32 @!p0 $0x3F80, s28;
	v5 =	vadd.f32 v17, v5  }
0x41: {  	v2 =	vadd.f32 v9, v2;
	v4 =	vadd.f32 v18, v4;
	[tilespmem:s25+$0x1BC00] =	vst @!p0 v12  }
0x42: {  	v1 =	vadd.f32 v8, v1;
	v3 =	vadd.f32 v19, v3;
	[tilespmem:s25+$0x1BC10] =	vst @!p0 v5  }
0x43: {  	v0 =	vadd.f32 v11, v0;
	v2 =	vadd.f32 v62, v2;
	[tilespmem:s25+$0x1BC20] =	vst @!p0 v4  }
0x44: {  	v1 =	vadd.f32 v63, v1;
	[tilespmem:s25+$0x1BC30] =	vst @!p0 v3  }
0x45: {  	p1 =	sgt.u32 s22, $0xFD;
	v0 =	vadd.f32 v6, v0;
	[tilespmem:s25+$0x1BC40] =	vst @!p0 v2  }
0x46: {  	v6 =	vadd.f32 v15, v7;
	[tilespmem:s25+$0x1BC50] =	vst @!p0 v1;
	s25 =	sshll.u32 @!p1 s22, $0x7  }
0x47: {  	[tilespmem:s28+$0x1BC00] =	vst @!p0 v0;
	s28 =	sor.u32 @!p0 $0x70, s28;
	s25 =	sand.u32 @!p1 $0x3FFFFF80, s25  }
0x48: {  	s22 =	sadd.s32 $0x1, s22;
	[tilespmem:s28+$0x1BC00] =	vst @!p0 v6;
	s25 =	sadd.s32 @!p1 $0x300, s25;
	s28 =	simm.s32 @!p1 $0x64  }
0x49: {  	[tilespmem:s24], [sflag:s23] =	stream.indirect.gather @!p1 [hbm4b:s3+s28], $0x80, s25, s28, $0xb8;
	[tilespmem:$0x1E000] =	vst v63  }
0x4a: {  	p1 =	sne.s32 s22, $0x104  }
.Ltmp1:
0x4b: {  	_ = 	snop;
	(pc) =	sbr.rel @p1 .LBB2_2-.Ltmp1, $4  }
0x4c: {  	p6 =	seq.s32 s26, $0x3  }
0x4d: {  	v11 =	vpsel p6, $0x0, v12;
	v5 =	vpsel p6, $0x0, v5  }
0x4e: {  	v4 =	vpsel p6, $0x0, v4;
	v3 =	vpsel p6, $0x0, v3;
	v2 =	vpsel p6, $0x0, v2  }
0x4f: {  	s21 =	sadd.s32 $0x3400, s21;
	v1 =	vpsel p6, $0x0, v1;
	v0 =	vpsel p6, $0x0, v0;
	v7 =	vpsel p6, $0x0, v6  }
0x50: {  	s20 =	sadd.s32 $0x1, s20  }
0x51: {  	p0 =	sne.s32 s20, s6  }
.Ltmp2:
0x52: {  	_ = 	snop;
	(pc) =	sbr.rel @p0 .LBB2_1-.Ltmp2, $4  }
0x53: {  	[hbm4b:s5+s2] =	stream.linear.scatter [tilespmem:s19], [sflag:$0x7], $0x2080, $0x38;
	[tilespmem:$0x1E000] =	vst v63  }
0x54: {  	_ =	swait.ge [sflag:s7], $0x2080  }
0x55: {  	[sflag:s7] =	ssyncset.done $0x0  }
0x56: {  	[sflag:s7] =	ssyncadd.s32 $0xFFFFDF80  }
0x57: {  	_ =	sfence.sel $0x180000  }
0x58: {  	[bflag:$0x0] =	sbarrier.arrive $0xFFFF  }
0x59: {  	p0 =	sne.s32 s0, $0x0;
	_ =	strace $0x90000047  }
0x5a: {  	s0 =	sadd.s32 @!p0 $0x100000, s1;
	[bflag:$0x2] =	sbarrier.arrive $0xFFFF  }
0x5b: {  	[sflag:s0] =	ssyncadd.tile.s32 @!p0 $0x1;
	_ =	shalt  }
.Lfunc_end2:
_tile_overlayer_lowered:
.L_overlay_start_2:
0x5c: {  	(tag) =	ssettag $0x2  }
0x5d: {  	s0 =	rddreg [dreg:$0x0];
	s2 =	stileid.u32  }
0x5e: {  	s1 =	rddreg [dreg:$0x1];
	p0 =	sne.s32 s2, $0x0  }
0x5f: {  	s3 =	rddreg [dreg:$0x2];
	[bflag:$0x3] =	sbarrier.arrive $0xFFFF;
	s2 =	simm.s32 @!p0 $0x1C07  }
0x60: {  	[timem:s3], [sflag:s2] =	dma.local @!p0 [hbm:s0], s1  }
0x61: {  	s0 =	simm.s32 @!p0 $0x7  }
0x62: {  	_ =	swait.ge @!p0 [sflag:s0], s1  }
0x63: {  	s1 =	ssub.s32 @!p0 $0x0, s1;
	[sflag:s0] =	ssyncset.done @!p0 $0x0  }
0x64: {  	[sflag:s0] =	ssyncadd.s32 @!p0 s1  }
0x65: {  	[bflag:$0x3] =	sbarrier.arrive $0xFFFF  }
0x66: {  	_ =	shalt  }

</sc_bundles>
